<compile_context>
chip_gen: v7x
topology: tpu7x:2x2x1
jax: 0.10.2.dev20260603
libtpu: 0.0.44.dev20260713+nightly
codegen_flags: <defaults>
</compile_context>

<pallas_src>
import functools

import jax
import jax.numpy as jnp
from jax import lax
from jax.experimental import pallas as pl
from jax.experimental.pallas import tpu as pltpu
from jax.experimental.pallas import tpu_sc as plsc

N = 16384
NUM_TYPES_ROWS = 100000
EMB_DIM = 64
CHG_DIM = 8
OUT_DIM = EMB_DIM + CHG_DIM

_info = plsc.get_sparse_core_info()
NC, NS = _info.num_cores, _info.num_subcores
NW = NC * NS
D_PER_W = EMB_DIM // NW

IDX_CHUNK_ROWS = 32
N_IDX_CHUNKS = 128 // IDX_CHUNK_ROWS

TC_DIM = OUT_DIM // 8
TR_DIM = N // 128

_mesh = plsc.VectorSubcoreMesh(core_axis_name="c", subcore_axis_name="s")


@functools.partial(
    pl.kernel,
    mesh=_mesh,
    out_type=jax.ShapeDtypeStruct((TC_DIM, TR_DIM, 1024), jnp.float32),
    scratch_types=[
        pltpu.VMEM((NUM_TYPES_ROWS,), jnp.float32),
        pltpu.VMEM((IDX_CHUNK_ROWS, 128), jnp.int32),
        pltpu.VMEM((IDX_CHUNK_ROWS, 128), jnp.int32),
        pltpu.VMEM((TR_DIM, 128), jnp.float32),
        pltpu.SemaphoreType.DMA,
        pltpu.SemaphoreType.DMA,
    ],
    compiler_params=pltpu.CompilerParams(needs_layout_passes=False),
)
def _emb_kernel(idx_hbm, chargeT_hbm, tableT_hbm, out_hbm,
                tb_v, idxc_a, idxc_b, gath_v, sem, sem2):
    wid = lax.axis_index("s") * NC + lax.axis_index("c")
    idxc = (idxc_a, idxc_b)

    for dd in range(D_PER_W):
        d = wid * D_PER_W + dd
        pend = pltpu.async_copy(
            idx_hbm.at[pl.ds(0, IDX_CHUNK_ROWS)], idxc[0], sem2)
        pltpu.sync_copy(tableT_hbm.at[d], tb_v)

        for p in range(N_IDX_CHUNKS):
            pend.wait()
            if p + 1 < N_IDX_CHUNKS:
                pend = pltpu.async_copy(
                    idx_hbm.at[pl.ds((p + 1) * IDX_CHUNK_ROWS,
                                     IDX_CHUNK_ROWS)],
                    idxc[(p + 1) % 2], sem2)
            buf = idxc[p % 2]

            def row_body(r, carry, p=p, buf=buf):
                for lb in range(8):
                    iv = buf[r, pl.ds(lb * 16, 16)]
                    v = plsc.load_gather(tb_v, [iv])
                    gath_v[p * IDX_CHUNK_ROWS + r, pl.ds(lb * 16, 16)] = v
                return carry

            lax.fori_loop(0, IDX_CHUNK_ROWS, row_body, 0, unroll=2)

        pltpu.sync_copy(
            gath_v,
            out_hbm.at[d // 8, pl.ds(0, TR_DIM), pl.ds((d % 8) * 128, 128)],
        )

    @pl.when(wid < CHG_DIM)
    def _():
        pltpu.sync_copy(
            chargeT_hbm.at[wid],
            out_hbm.at[EMB_DIM // 8, pl.ds(0, TR_DIM),
                       pl.ds(wid * 128, 128)],
        )


def kernel(atom_types, charge, pos, emb_table):
    idx = atom_types.astype(jnp.int32).reshape(128, 128)
    chargeT = charge.T.reshape(CHG_DIM, TR_DIM, 128)
    out4 = _emb_kernel(idx, chargeT, emb_table.T)
    out = (out4.reshape(TC_DIM, TR_DIM, 8, 128)
           .transpose(1, 3, 0, 2).reshape(N, OUT_DIM))
    return out.astype(pos.dtype)

# --- scband reference (transcript-rebuilt; emitter-appended) ---
"""Pipeline reference for scband-embedding-input-attrs-25469156065584 (READ-ONLY COPY).

The authoritative reference and input builder live on the scoring server;
editing this copy changes nothing except your own understanding.
"""

import jax, jax.numpy as jnp
import numpy as np

NUM_TYPES = 100000
EMB_DIM = 64
N = 16384

def setup_inputs(seed: int = 0) -> dict:
    key = jax.random.key(seed)
    k1, k2, k3, k4 = jax.random.split(key, 4)
    atom_types = jax.random.randint(k1, (N, 1), 0, NUM_TYPES, dtype=jnp.int64) if jax.config.jax_enable_x64 else jax.random.randint(k1, (N, 1), 0, NUM_TYPES, dtype=jnp.int32)
    charge = jax.random.normal(k2, (N, 8), dtype=jnp.float32)
    pos = jax.random.normal(k3, (N, 3), dtype=jnp.float32)
    # learned embedding table, init normal(0, 1) per module __init__
    emb_table = jax.random.normal(k4, (NUM_TYPES, EMB_DIM), dtype=jnp.float32)
    return {"atom_types": atom_types, "charge": charge, "pos": pos, "emb_table": emb_table}

def reference(atom_types, charge, pos, emb_table):
    # categorical attribute: squeeze trailing dim, embedding lookup (gather)
    idx = jnp.squeeze(atom_types, axis=-1)
    x_emb = jnp.take(emb_table, idx, axis=0)  # [N, 64]
    # numerical attribute appended as-is
    out = jnp.concatenate([x_emb, charge], axis=-1)  # [N, 72]
    # cast to positions dtype, as in torch forward
    out = out.astype(pos.dtype)
    return out

if __name__ == "__main__":
    import jax
    _d = setup_inputs()
    print(jax.jit(kernel)(*tuple(_d.values())))

</pallas_src>

<mosaic_0001>
#map = affine_map<(d0, d1) -> (0, 0)>
#map1 = affine_map<(d0, d1) -> (0, 0, 0)>
module attributes {stable_mosaic.version = 14 : i64} {
  func.func @_emb_kernel(%arg0: i32, %arg1: i32, %arg2: memref<128x128xi32, #tpu.memory_space<hbm>>, %arg3: memref<8x128x128xf32, #tpu.memory_space<hbm>>, %arg4: memref<64x100000xf32, #tpu.memory_space<hbm>>, %arg5: memref<9x128x1024xf32, #tpu.memory_space<hbm>>, %arg6: memref<100000xf32, #tpu.memory_space<vmem>>, %arg7: memref<32x128xi32, #tpu.memory_space<vmem>>, %arg8: memref<32x128xi32, #tpu.memory_space<vmem>>, %arg9: memref<128x128xf32, #tpu.memory_space<vmem>>, %arg10: memref<!tpu.dma_semaphore, #tpu.memory_space<semaphore_mem>>, %arg11: memref<!tpu.dma_semaphore, #tpu.memory_space<semaphore_mem>>) attributes {dimension_semantics = [#tpu.dimension_semantics<core_parallel>, #tpu.dimension_semantics<subcore_parallel>], iteration_bounds = array<i64: 2, 16>, scalar_prefetch = 0 : i64, scratch_operands = 6 : i64, tpu.core_type = #tpu.core_type<sc_vector_subcore>, window_params = [{transform_indices = #map}, {transform_indices = #map1}, {transform_indices = #map}, {transform_indices = #map1}]} {
    %mul3A = arith.constant 2 : i32
    %mul3A_0 = arith.muli %arg1, %mul3A : i32
    %add3A = arith.addi %mul3A_0, %arg0 : i32
    %mul3A_1 = arith.constant 2 : i32
    %mul3A_2 = arith.muli %add3A, %mul3A_1 : i32
    %add3A_3 = arith.constant 0 : i32
    %add3A_4 = arith.addi %mul3A_2, %add3A_3 : i32
    %dma_start3A = arith.constant 0 : i32
    %dma_start3A_5 = arith.constant 0 : i32
    %dma_start3A_6 = tpu.memref_slice %arg2[%dma_start3A, %dma_start3A_5] : memref<128x128xi32, #tpu.memory_space<hbm>> -> memref<32x128xi32, #tpu.memory_space<hbm>>
    %dma_start3A_7 = arith.constant 0 : i32
    %dma_start3A_8 = arith.constant 0 : i32
    %dma_start3A_9 = tpu.memref_slice %arg2[%dma_start3A_7, %dma_start3A_8] : memref<128x128xi32, #tpu.memory_space<hbm>> -> memref<32x128xi32, #tpu.memory_space<hbm>>
    tpu.enqueue_dma source(%dma_start3A_9 : memref<32x128xi32, #tpu.memory_space<hbm>>) target(%arg7 : memref<32x128xi32, #tpu.memory_space<vmem>>) target_semaphore(%arg11 : memref<!tpu.dma_semaphore, #tpu.memory_space<semaphore_mem>>)
    "tpu.region"() ({
      %run_scoped3A = tpu.sem_alloc : memref<!tpu.dma_semaphore, #tpu.memory_space<semaphore_mem>>
      %dma_start3A_227 = arith.constant 0 : i32
      %dma_start3A_228 = tpu.memref_slice %arg4[%add3A_4, %dma_start3A_227] : memref<64x100000xf32, #tpu.memory_space<hbm>> -> memref<1x100000xf32, #tpu.memory_space<hbm>>
      %dma_start3A_229 = tpu.memref_squeeze %dma_start3A_228 : memref<1x100000xf32, #tpu.memory_space<hbm>> -> memref<100000xf32, #tpu.memory_space<hbm>>
      %dma_start3A_230 = arith.constant 0 : i32
      %dma_start3A_231 = tpu.memref_slice %arg4[%add3A_4, %dma_start3A_230] : memref<64x100000xf32, #tpu.memory_space<hbm>> -> memref<1x100000xf32, #tpu.memory_space<hbm>>
      %dma_start3A_232 = tpu.memref_squeeze %dma_start3A_231 : memref<1x100000xf32, #tpu.memory_space<hbm>> -> memref<100000xf32, #tpu.memory_space<hbm>>
      tpu.enqueue_dma source(%dma_start3A_232 : memref<100000xf32, #tpu.memory_space<hbm>>) target(%arg6 : memref<100000xf32, #tpu.memory_space<vmem>>) target_semaphore(%run_scoped3A : memref<!tpu.dma_semaphore, #tpu.memory_space<semaphore_mem>>)
      %dma_wait3A_233 = arith.constant 0 : i32
      %dma_wait3A_234 = tpu.memref_slice %arg4[%add3A_4, %dma_wait3A_233] : memref<64x100000xf32, #tpu.memory_space<hbm>> -> memref<1x100000xf32, #tpu.memory_space<hbm>>
      %dma_wait3A_235 = tpu.memref_squeeze %dma_wait3A_234 : memref<1x100000xf32, #tpu.memory_space<hbm>> -> memref<100000xf32, #tpu.memory_space<hbm>>
      %dma_wait3A_236 = arith.constant 0 : i32
      %dma_wait3A_237 = tpu.memref_slice %arg4[%add3A_4, %dma_wait3A_236] : memref<64x100000xf32, #tpu.memory_space<hbm>> -> memref<1x100000xf32, #tpu.memory_space<hbm>>
      %dma_wait3A_238 = tpu.memref_squeeze %dma_wait3A_237 : memref<1x100000xf32, #tpu.memory_space<hbm>> -> memref<100000xf32, #tpu.memory_space<hbm>>
      tpu.wait_dma2 semaphore(%run_scoped3A : memref<!tpu.dma_semaphore, #tpu.memory_space<semaphore_mem>>) src(%dma_wait3A_238 : memref<100000xf32, #tpu.memory_space<hbm>>) dst(%arg6 : memref<100000xf32, #tpu.memory_space<vmem>>)
      tpu.yield
    }) : () -> ()
    %dma_wait3A = arith.constant 0 : i32
    %dma_wait3A_10 = arith.constant 0 : i32
    %dma_wait3A_11 = tpu.memref_slice %arg2[%dma_wait3A, %dma_wait3A_10] : memref<128x128xi32, #tpu.memory_space<hbm>> -> memref<32x128xi32, #tpu.memory_space<hbm>>
    %dma_wait3A_12 = arith.constant 0 : i32
    %dma_wait3A_13 = arith.constant 0 : i32
    %dma_wait3A_14 = tpu.memref_slice %arg2[%dma_wait3A_12, %dma_wait3A_13] : memref<128x128xi32, #tpu.memory_space<hbm>> -> memref<32x128xi32, #tpu.memory_space<hbm>>
    tpu.wait_dma2 semaphore(%arg11 : memref<!tpu.dma_semaphore, #tpu.memory_space<semaphore_mem>>) src(%dma_wait3A_14 : memref<32x128xi32, #tpu.memory_space<hbm>>) dst(%arg7 : memref<32x128xi32, #tpu.memory_space<vmem>>)
    %dma_start3A_15 = arith.constant 32 : i32
    %dma_start3A_16 = arith.constant 0 : i32
    %dma_start3A_17 = tpu.memref_slice %arg2[%dma_start3A_15, %dma_start3A_16] : memref<128x128xi32, #tpu.memory_space<hbm>> -> memref<32x128xi32, #tpu.memory_space<hbm>>
    %dma_start3A_18 = arith.constant 32 : i32
    %dma_start3A_19 = arith.constant 0 : i32
    %dma_start3A_20 = tpu.memref_slice %arg2[%dma_start3A_18, %dma_start3A_19] : memref<128x128xi32, #tpu.memory_space<hbm>> -> memref<32x128xi32, #tpu.memory_space<hbm>>
    tpu.enqueue_dma source(%dma_start3A_20 : memref<32x128xi32, #tpu.memory_space<hbm>>) target(%arg8 : memref<32x128xi32, #tpu.memory_space<vmem>>) target_semaphore(%arg11 : memref<!tpu.dma_semaphore, #tpu.memory_space<semaphore_mem>>)
    %scan3A = arith.constant 0 : i32
    %scan3A_21 = arith.constant 0 : i32
    %scan3A_22 = arith.constant 32 : i32
    %scan3A_23 = arith.addi %scan3A_21, %scan3A_22 : i32
    %scan3A_24 = arith.constant 2 : i32
    scf.for %scan3A_227 = %scan3A_21 to %scan3A_23 step %scan3A_24  : i32 {
      %get3A = arith.index_cast %scan3A_227 : i32 to index
      %get3A_228 = arith.constant 0 : index
      %get3A_229 = tpu.vector_load %arg7[%get3A, %get3A_228] {strides = array<i32>} : memref<32x128xi32, #tpu.memory_space<vmem>>, vector<16xi32>,
      %gather3A = tpu.vector_load_idx %arg6[%get3A_229] : memref<100000xf32, #tpu.memory_space<vmem>>[vector<16xi32>], vector<16xf32>,
      %add3A_230 = arith.constant 0 : i32
      %add3A_231 = arith.addi %add3A_230, %scan3A_227 : i32
      %swap3A = arith.index_cast %add3A_231 : i32 to index
      %swap3A_232 = arith.constant 0 : index
      %swap3A_233 = tpu.vector_load %arg9[%swap3A, %swap3A_232] {strides = array<i32>} : memref<128x128xf32, #tpu.memory_space<vmem>>, vector<16xf32>,
      tpu.vector_store %arg9[%swap3A, %swap3A_232], %gather3A {strides = array<i32>} : memref<128x128xf32, #tpu.memory_space<vmem>>, vector<16xf32>,
      %get3A_234 = arith.index_cast %scan3A_227 : i32 to index
      %get3A_235 = arith.constant 16 : index
      %get3A_236 = tpu.vector_load %arg7[%get3A_234, %get3A_235] {strides = array<i32>} : memref<32x128xi32, #tpu.memory_space<vmem>>, vector<16xi32>,
      %gather3A_237 = tpu.vector_load_idx %arg6[%get3A_236] : memref<100000xf32, #tpu.memory_space<vmem>>[vector<16xi32>], vector<16xf32>,
      %add3A_238 = arith.constant 0 : i32
      %add3A_239 = arith.addi %add3A_238, %scan3A_227 : i32
      %swap3A_240 = arith.index_cast %add3A_239 : i32 to index
      %swap3A_241 = arith.constant 16 : index
      %swap3A_242 = tpu.vector_load %arg9[%swap3A_240, %swap3A_241] {strides = array<i32>} : memref<128x128xf32, #tpu.memory_space<vmem>>, vector<16xf32>,
      tpu.vector_store %arg9[%swap3A_240, %swap3A_241], %gather3A_237 {strides = array<i32>} : memref<128x128xf32, #tpu.memory_space<vmem>>, vector<16xf32>,
      %get3A_243 = arith.index_cast %scan3A_227 : i32 to index
      %get3A_244 = arith.constant 32 : index
      %get3A_245 = tpu.vector_load %arg7[%get3A_243, %get3A_244] {strides = array<i32>} : memref<32x128xi32, #tpu.memory_space<vmem>>, vector<16xi32>,
      %gather3A_246 = tpu.vector_load_idx %arg6[%get3A_245] : memref<100000xf32, #tpu.memory_space<vmem>>[vector<16xi32>], vector<16xf32>,
      %add3A_247 = arith.constant 0 : i32
      %add3A_248 = arith.addi %add3A_247, %scan3A_227 : i32
      %swap3A_249 = arith.index_cast %add3A_248 : i32 to index
      %swap3A_250 = arith.constant 32 : index
      %swap3A_251 = tpu.vector_load %arg9[%swap3A_249, %swap3A_250] {strides = array<i32>} : memref<128x128xf32, #tpu.memory_space<vmem>>, vector<16xf32>,
      tpu.vector_store %arg9[%swap3A_249, %swap3A_250], %gather3A_246 {strides = array<i32>} : memref<128x128xf32, #tpu.memory_space<vmem>>, vector<16xf32>,
      %get3A_252 = arith.index_cast %scan3A_227 : i32 to index
      %get3A_253 = arith.constant 48 : index
      %get3A_254 = tpu.vector_load %arg7[%get3A_252, %get3A_253] {strides = array<i32>} : memref<32x128xi32, #tpu.memory_space<vmem>>, vector<16xi32>,
      %gather3A_255 = tpu.vector_load_idx %arg6[%get3A_254] : memref<100000xf32, #tpu.memory_space<vmem>>[vector<16xi32>], vector<16xf32>,
      %add3A_256 = arith.constant 0 : i32
      %add3A_257 = arith.addi %add3A_256, %scan3A_227 : i32
      %swap3A_258 = arith.index_cast %add3A_257 : i32 to index
      %swap3A_259 = arith.constant 48 : index
      %swap3A_260 = tpu.vector_load %arg9[%swap3A_258, %swap3A_259] {strides = array<i32>} : memref<128x128xf32, #tpu.memory_space<vmem>>, vector<16xf32>,
      tpu.vector_store %arg9[%swap3A_258, %swap3A_259], %gather3A_255 {strides = array<i32>} : memref<128x128xf32, #tpu.memory_space<vmem>>, vector<16xf32>,
      %get3A_261 = arith.index_cast %scan3A_227 : i32 to index
      %get3A_262 = arith.constant 64 : index
      %get3A_263 = tpu.vector_load %arg7[%get3A_261, %get3A_262] {strides = array<i32>} : memref<32x128xi32, #tpu.memory_space<vmem>>, vector<16xi32>,
      %gather3A_264 = tpu.vector_load_idx %arg6[%get3A_263] : memref<100000xf32, #tpu.memory_space<vmem>>[vector<16xi32>], vector<16xf32>,
      %add3A_265 = arith.constant 0 : i32
      %add3A_266 = arith.addi %add3A_265, %scan3A_227 : i32
      %swap3A_267 = arith.index_cast %add3A_266 : i32 to index
      %swap3A_268 = arith.constant 64 : index
      %swap3A_269 = tpu.vector_load %arg9[%swap3A_267, %swap3A_268] {strides = array<i32>} : memref<128x128xf32, #tpu.memory_space<vmem>>, vector<16xf32>,
      tpu.vector_store %arg9[%swap3A_267, %swap3A_268], %gather3A_264 {strides = array<i32>} : memref<128x128xf32, #tpu.memory_space<vmem>>, vector<16xf32>,
      %get3A_270 = arith.index_cast %scan3A_227 : i32 to index
      %get3A_271 = arith.constant 80 : index
      %get3A_272 = tpu.vector_load %arg7[%get3A_270, %get3A_271] {strides = array<i32>} : memref<32x128xi32, #tpu.memory_space<vmem>>, vector<16xi32>,
      %gather3A_273 = tpu.vector_load_idx %arg6[%get3A_272] : memref<100000xf32, #tpu.memory_space<vmem>>[vector<16xi32>], vector<16xf32>,
      %add3A_274 = arith.constant 0 : i32
      %add3A_275 = arith.addi %add3A_274, %scan3A_227 : i32
      %swap3A_276 = arith.index_cast %add3A_275 : i32 to index
      %swap3A_277 = arith.constant 80 : index
      %swap3A_278 = tpu.vector_load %arg9[%swap3A_276, %swap3A_277] {strides = array<i32>} : memref<128x128xf32, #tpu.memory_space<vmem>>, vector<16xf32>,
      tpu.vector_store %arg9[%swap3A_276, %swap3A_277], %gather3A_273 {strides = array<i32>} : memref<128x128xf32, #tpu.memory_space<vmem>>, vector<16xf32>,
      %get3A_279 = arith.index_cast %scan3A_227 : i32 to index
      %get3A_280 = arith.constant 96 : index
      %get3A_281 = tpu.vector_load %arg7[%get3A_279, %get3A_280] {strides = array<i32>} : memref<32x128xi32, #tpu.memory_space<vmem>>, vector<16xi32>,
      %gather3A_282 = tpu.vector_load_idx %arg6[%get3A_281] : memref<100000xf32, #tpu.memory_space<vmem>>[vector<16xi32>], vector<16xf32>,
      %add3A_283 = arith.constant 0 : i32
      %add3A_284 = arith.addi %add3A_283, %scan3A_227 : i32
      %swap3A_285 = arith.index_cast %add3A_284 : i32 to index
      %swap3A_286 = arith.constant 96 : index
      %swap3A_287 = tpu.vector_load %arg9[%swap3A_285, %swap3A_286] {strides = array<i32>} : memref<128x128xf32, #tpu.memory_space<vmem>>, vector<16xf32>,
      tpu.vector_store %arg9[%swap3A_285, %swap3A_286], %gather3A_282 {strides = array<i32>} : memref<128x128xf32, #tpu.memory_space<vmem>>, vector<16xf32>,
      %get3A_288 = arith.index_cast %scan3A_227 : i32 to index
      %get3A_289 = arith.constant 112 : index
      %get3A_290 = tpu.vector_load %arg7[%get3A_288, %get3A_289] {strides = array<i32>} : memref<32x128xi32, #tpu.memory_space<vmem>>, vector<16xi32>,
      %gather3A_291 = tpu.vector_load_idx %arg6[%get3A_290] : memref<100000xf32, #tpu.memory_space<vmem>>[vector<16xi32>], vector<16xf32>,
      %add3A_292 = arith.constant 0 : i32
      %add3A_293 = arith.addi %add3A_292, %scan3A_227 : i32
      %swap3A_294 = arith.index_cast %add3A_293 : i32 to index
      %swap3A_295 = arith.constant 112 : index
      %swap3A_296 = tpu.vector_load %arg9[%swap3A_294, %swap3A_295] {strides = array<i32>} : memref<128x128xf32, #tpu.memory_space<vmem>>, vector<16xf32>,
      tpu.vector_store %arg9[%swap3A_294, %swap3A_295], %gather3A_291 {strides = array<i32>} : memref<128x128xf32, #tpu.memory_space<vmem>>, vector<16xf32>,
      %scan3A_297 = arith.constant 1 : i32
      %scan3A_298 = arith.addi %scan3A_227, %scan3A_297 : i32
      %get3A_299 = arith.index_cast %scan3A_298 : i32 to index
      %get3A_300 = arith.constant 0 : index
      %get3A_301 = tpu.vector_load %arg7[%get3A_299, %get3A_300] {strides = array<i32>} : memref<32x128xi32, #tpu.memory_space<vmem>>, vector<16xi32>,
      %gather3A_302 = tpu.vector_load_idx %arg6[%get3A_301] : memref<100000xf32, #tpu.memory_space<vmem>>[vector<16xi32>], vector<16xf32>,
      %add3A_303 = arith.constant 0 : i32
      %add3A_304 = arith.addi %add3A_303, %scan3A_298 : i32
      %swap3A_305 = arith.index_cast %add3A_304 : i32 to index
      %swap3A_306 = arith.constant 0 : index
      %swap3A_307 = tpu.vector_load %arg9[%swap3A_305, %swap3A_306] {strides = array<i32>} : memref<128x128xf32, #tpu.memory_space<vmem>>, vector<16xf32>,
      tpu.vector_store %arg9[%swap3A_305, %swap3A_306], %gather3A_302 {strides = array<i32>} : memref<128x128xf32, #tpu.memory_space<vmem>>, vector<16xf32>,
      %get3A_308 = arith.index_cast %scan3A_298 : i32 to index
      %get3A_309 = arith.constant 16 : index
      %get3A_310 = tpu.vector_load %arg7[%get3A_308, %get3A_309] {strides = array<i32>} : memref<32x128xi32, #tpu.memory_space<vmem>>, vector<16xi32>,
      %gather3A_311 = tpu.vector_load_idx %arg6[%get3A_310] : memref<100000xf32, #tpu.memory_space<vmem>>[vector<16xi32>], vector<16xf32>,
      %add3A_312 = arith.constant 0 : i32
      %add3A_313 = arith.addi %add3A_312, %scan3A_298 : i32
      %swap3A_314 = arith.index_cast %add3A_313 : i32 to index
      %swap3A_315 = arith.constant 16 : index
      %swap3A_316 = tpu.vector_load %arg9[%swap3A_314, %swap3A_315] {strides = array<i32>} : memref<128x128xf32, #tpu.memory_space<vmem>>, vector<16xf32>,
      tpu.vector_store %arg9[%swap3A_314, %swap3A_315], %gather3A_311 {strides = array<i32>} : memref<128x128xf32, #tpu.memory_space<vmem>>, vector<16xf32>,
      %get3A_317 = arith.index_cast %scan3A_298 : i32 to index
      %get3A_318 = arith.constant 32 : index
      %get3A_319 = tpu.vector_load %arg7[%get3A_317, %get3A_318] {strides = array<i32>} : memref<32x128xi32, #tpu.memory_space<vmem>>, vector<16xi32>,
      %gather3A_320 = tpu.vector_load_idx %arg6[%get3A_319] : memref<100000xf32, #tpu.memory_space<vmem>>[vector<16xi32>], vector<16xf32>,
      %add3A_321 = arith.constant 0 : i32
      %add3A_322 = arith.addi %add3A_321, %scan3A_298 : i32
      %swap3A_323 = arith.index_cast %add3A_322 : i32 to index
      %swap3A_324 = arith.constant 32 : index
      %swap3A_325 = tpu.vector_load %arg9[%swap3A_323, %swap3A_324] {strides = array<i32>} : memref<128x128xf32, #tpu.memory_space<vmem>>, vector<16xf32>,
      tpu.vector_store %arg9[%swap3A_323, %swap3A_324], %gather3A_320 {strides = array<i32>} : memref<128x128xf32, #tpu.memory_space<vmem>>, vector<16xf32>,
      %get3A_326 = arith.index_cast %scan3A_298 : i32 to index
      %get3A_327 = arith.constant 48 : index
      %get3A_328 = tpu.vector_load %arg7[%get3A_326, %get3A_327] {strides = array<i32>} : memref<32x128xi32, #tpu.memory_space<vmem>>, vector<16xi32>,
      %gather3A_329 = tpu.vector_load_idx %arg6[%get3A_328] : memref<100000xf32, #tpu.memory_space<vmem>>[vector<16xi32>], vector<16xf32>,
      %add3A_330 = arith.constant 0 : i32
      %add3A_331 = arith.addi %add3A_330, %scan3A_298 : i32
      %swap3A_332 = arith.index_cast %add3A_331 : i32 to index
      %swap3A_333 = arith.constant 48 : index
      %swap3A_334 = tpu.vector_load %arg9[%swap3A_332, %swap3A_333] {strides = array<i32>} : memref<128x128xf32, #tpu.memory_space<vmem>>, vector<16xf32>,
      tpu.vector_store %arg9[%swap3A_332, %swap3A_333], %gather3A_329 {strides = array<i32>} : memref<128x128xf32, #tpu.memory_space<vmem>>, vector<16xf32>,
      %get3A_335 = arith.index_cast %scan3A_298 : i32 to index
      %get3A_336 = arith.constant 64 : index
      %get3A_337 = tpu.vector_load %arg7[%get3A_335, %get3A_336] {strides = array<i32>} : memref<32x128xi32, #tpu.memory_space<vmem>>, vector<16xi32>,
      %gather3A_338 = tpu.vector_load_idx %arg6[%get3A_337] : memref<100000xf32, #tpu.memory_space<vmem>>[vector<16xi32>], vector<16xf32>,
      %add3A_339 = arith.constant 0 : i32
      %add3A_340 = arith.addi %add3A_339, %scan3A_298 : i32
      %swap3A_341 = arith.index_cast %add3A_340 : i32 to index
      %swap3A_342 = arith.constant 64 : index
      %swap3A_343 = tpu.vector_load %arg9[%swap3A_341, %swap3A_342] {strides = array<i32>} : memref<128x128xf32, #tpu.memory_space<vmem>>, vector<16xf32>,
      tpu.vector_store %arg9[%swap3A_341, %swap3A_342], %gather3A_338 {strides = array<i32>} : memref<128x128xf32, #tpu.memory_space<vmem>>, vector<16xf32>,
      %get3A_344 = arith.index_cast %scan3A_298 : i32 to index
      %get3A_345 = arith.constant 80 : index
      %get3A_346 = tpu.vector_load %arg7[%get3A_344, %get3A_345] {strides = array<i32>} : memref<32x128xi32, #tpu.memory_space<vmem>>, vector<16xi32>,
      %gather3A_347 = tpu.vector_load_idx %arg6[%get3A_346] : memref<100000xf32, #tpu.memory_space<vmem>>[vector<16xi32>], vector<16xf32>,
      %add3A_348 = arith.constant 0 : i32
      %add3A_349 = arith.addi %add3A_348, %scan3A_298 : i32
      %swap3A_350 = arith.index_cast %add3A_349 : i32 to index
      %swap3A_351 = arith.constant 80 : index
      %swap3A_352 = tpu.vector_load %arg9[%swap3A_350, %swap3A_351] {strides = array<i32>} : memref<128x128xf32, #tpu.memory_space<vmem>>, vector<16xf32>,
      tpu.vector_store %arg9[%swap3A_350, %swap3A_351], %gather3A_347 {strides = array<i32>} : memref<128x128xf32, #tpu.memory_space<vmem>>, vector<16xf32>,
      %get3A_353 = arith.index_cast %scan3A_298 : i32 to index
      %get3A_354 = arith.constant 96 : index
      %get3A_355 = tpu.vector_load %arg7[%get3A_353, %get3A_354] {strides = array<i32>} : memref<32x128xi32, #tpu.memory_space<vmem>>, vector<16xi32>,
      %gather3A_356 = tpu.vector_load_idx %arg6[%get3A_355] : memref<100000xf32, #tpu.memory_space<vmem>>[vector<16xi32>], vector<16xf32>,
      %add3A_357 = arith.constant 0 : i32
      %add3A_358 = arith.addi %add3A_357, %scan3A_298 : i32
      %swap3A_359 = arith.index_cast %add3A_358 : i32 to index
      %swap3A_360 = arith.constant 96 : index
      %swap3A_361 = tpu.vector_load %arg9[%swap3A_359, %swap3A_360] {strides = array<i32>} : memref<128x128xf32, #tpu.memory_space<vmem>>, vector<16xf32>,
      tpu.vector_store %arg9[%swap3A_359, %swap3A_360], %gather3A_356 {strides = array<i32>} : memref<128x128xf32, #tpu.memory_space<vmem>>, vector<16xf32>,
      %get3A_362 = arith.index_cast %scan3A_298 : i32 to index
      %get3A_363 = arith.constant 112 : index
      %get3A_364 = tpu.vector_load %arg7[%get3A_362, %get3A_363] {strides = array<i32>} : memref<32x128xi32, #tpu.memory_space<vmem>>, vector<16xi32>,
      %gather3A_365 = tpu.vector_load_idx %arg6[%get3A_364] : memref<100000xf32, #tpu.memory_space<vmem>>[vector<16xi32>], vector<16xf32>,
      %add3A_366 = arith.constant 0 : i32
      %add3A_367 = arith.addi %add3A_366, %scan3A_298 : i32
      %swap3A_368 = arith.index_cast %add3A_367 : i32 to index
      %swap3A_369 = arith.constant 112 : index
      %swap3A_370 = tpu.vector_load %arg9[%swap3A_368, %swap3A_369] {strides = array<i32>} : memref<128x128xf32, #tpu.memory_space<vmem>>, vector<16xf32>,
      tpu.vector_store %arg9[%swap3A_368, %swap3A_369], %gather3A_365 {strides = array<i32>} : memref<128x128xf32, #tpu.memory_space<vmem>>, vector<16xf32>,
    }
    %scan3A_25 = arith.constant 32 : i32
    %dma_wait3A_26 = arith.constant 32 : i32
    %dma_wait3A_27 = arith.constant 0 : i32
    %dma_wait3A_28 = tpu.memref_slice %arg2[%dma_wait3A_26, %dma_wait3A_27] : memref<128x128xi32, #tpu.memory_space<hbm>> -> memref<32x128xi32, #tpu.memory_space<hbm>>
    %dma_wait3A_29 = arith.constant 32 : i32
    %dma_wait3A_30 = arith.constant 0 : i32
    %dma_wait3A_31 = tpu.memref_slice %arg2[%dma_wait3A_29, %dma_wait3A_30] : memref<128x128xi32, #tpu.memory_space<hbm>> -> memref<32x128xi32, #tpu.memory_space<hbm>>
    tpu.wait_dma2 semaphore(%arg11 : memref<!tpu.dma_semaphore, #tpu.memory_space<semaphore_mem>>) src(%dma_wait3A_31 : memref<32x128xi32, #tpu.memory_space<hbm>>) dst(%arg8 : memref<32x128xi32, #tpu.memory_space<vmem>>)
    %dma_start3A_32 = arith.constant 64 : i32
    %dma_start3A_33 = arith.constant 0 : i32
    %dma_start3A_34 = tpu.memref_slice %arg2[%dma_start3A_32, %dma_start3A_33] : memref<128x128xi32, #tpu.memory_space<hbm>> -> memref<32x128xi32, #tpu.memory_space<hbm>>
    %dma_start3A_35 = arith.constant 64 : i32
    %dma_start3A_36 = arith.constant 0 : i32
    %dma_start3A_37 = tpu.memref_slice %arg2[%dma_start3A_35, %dma_start3A_36] : memref<128x128xi32, #tpu.memory_space<hbm>> -> memref<32x128xi32, #tpu.memory_space<hbm>>
    tpu.enqueue_dma source(%dma_start3A_37 : memref<32x128xi32, #tpu.memory_space<hbm>>) target(%arg7 : memref<32x128xi32, #tpu.memory_space<vmem>>) target_semaphore(%arg11 : memref<!tpu.dma_semaphore, #tpu.memory_space<semaphore_mem>>)
    %scan3A_38 = arith.constant 0 : i32
    %scan3A_39 = arith.constant 0 : i32
    %scan3A_40 = arith.constant 32 : i32
    %scan3A_41 = arith.addi %scan3A_39, %scan3A_40 : i32
    %scan3A_42 = arith.constant 2 : i32
    scf.for %scan3A_227 = %scan3A_39 to %scan3A_41 step %scan3A_42  : i32 {
      %get3A = arith.index_cast %scan3A_227 : i32 to index
      %get3A_228 = arith.constant 0 : index
      %get3A_229 = tpu.vector_load %arg8[%get3A, %get3A_228] {strides = array<i32>} : memref<32x128xi32, #tpu.memory_space<vmem>>, vector<16xi32>,
      %gather3A = tpu.vector_load_idx %arg6[%get3A_229] : memref<100000xf32, #tpu.memory_space<vmem>>[vector<16xi32>], vector<16xf32>,
      %add3A_230 = arith.constant 32 : i32
      %add3A_231 = arith.addi %add3A_230, %scan3A_227 : i32
      %swap3A = arith.index_cast %add3A_231 : i32 to index
      %swap3A_232 = arith.constant 0 : index
      %swap3A_233 = tpu.vector_load %arg9[%swap3A, %swap3A_232] {strides = array<i32>} : memref<128x128xf32, #tpu.memory_space<vmem>>, vector<16xf32>,
      tpu.vector_store %arg9[%swap3A, %swap3A_232], %gather3A {strides = array<i32>} : memref<128x128xf32, #tpu.memory_space<vmem>>, vector<16xf32>,
      %get3A_234 = arith.index_cast %scan3A_227 : i32 to index
      %get3A_235 = arith.constant 16 : index
      %get3A_236 = tpu.vector_load %arg8[%get3A_234, %get3A_235] {strides = array<i32>} : memref<32x128xi32, #tpu.memory_space<vmem>>, vector<16xi32>,
      %gather3A_237 = tpu.vector_load_idx %arg6[%get3A_236] : memref<100000xf32, #tpu.memory_space<vmem>>[vector<16xi32>], vector<16xf32>,
      %add3A_238 = arith.constant 32 : i32
      %add3A_239 = arith.addi %add3A_238, %scan3A_227 : i32
      %swap3A_240 = arith.index_cast %add3A_239 : i32 to index
      %swap3A_241 = arith.constant 16 : index
      %swap3A_242 = tpu.vector_load %arg9[%swap3A_240, %swap3A_241] {strides = array<i32>} : memref<128x128xf32, #tpu.memory_space<vmem>>, vector<16xf32>,
      tpu.vector_store %arg9[%swap3A_240, %swap3A_241], %gather3A_237 {strides = array<i32>} : memref<128x128xf32, #tpu.memory_space<vmem>>, vector<16xf32>,
      %get3A_243 = arith.index_cast %scan3A_227 : i32 to index
      %get3A_244 = arith.constant 32 : index
      %get3A_245 = tpu.vector_load %arg8[%get3A_243, %get3A_244] {strides = array<i32>} : memref<32x128xi32, #tpu.memory_space<vmem>>, vector<16xi32>,
      %gather3A_246 = tpu.vector_load_idx %arg6[%get3A_245] : memref<100000xf32, #tpu.memory_space<vmem>>[vector<16xi32>], vector<16xf32>,
      %add3A_247 = arith.constant 32 : i32
      %add3A_248 = arith.addi %add3A_247, %scan3A_227 : i32
      %swap3A_249 = arith.index_cast %add3A_248 : i32 to index
      %swap3A_250 = arith.constant 32 : index
      %swap3A_251 = tpu.vector_load %arg9[%swap3A_249, %swap3A_250] {strides = array<i32>} : memref<128x128xf32, #tpu.memory_space<vmem>>, vector<16xf32>,
      tpu.vector_store %arg9[%swap3A_249, %swap3A_250], %gather3A_246 {strides = array<i32>} : memref<128x128xf32, #tpu.memory_space<vmem>>, vector<16xf32>,
      %get3A_252 = arith.index_cast %scan3A_227 : i32 to index
      %get3A_253 = arith.constant 48 : index
      %get3A_254 = tpu.vector_load %arg8[%get3A_252, %get3A_253] {strides = array<i32>} : memref<32x128xi32, #tpu.memory_space<vmem>>, vector<16xi32>,
      %gather3A_255 = tpu.vector_load_idx %arg6[%get3A_254] : memref<100000xf32, #tpu.memory_space<vmem>>[vector<16xi32>], vector<16xf32>,
      %add3A_256 = arith.constant 32 : i32
      %add3A_257 = arith.addi %add3A_256, %scan3A_227 : i32
      %swap3A_258 = arith.index_cast %add3A_257 : i32 to index
      %swap3A_259 = arith.constant 48 : index
      %swap3A_260 = tpu.vector_load %arg9[%swap3A_258, %swap3A_259] {strides = array<i32>} : memref<128x128xf32, #tpu.memory_space<vmem>>, vector<16xf32>,
      tpu.vector_store %arg9[%swap3A_258, %swap3A_259], %gather3A_255 {strides = array<i32>} : memref<128x128xf32, #tpu.memory_space<vmem>>, vector<16xf32>,
      %get3A_261 = arith.index_cast %scan3A_227 : i32 to index
      %get3A_262 = arith.constant 64 : index
      %get3A_263 = tpu.vector_load %arg8[%get3A_261, %get3A_262] {strides = array<i32>} : memref<32x128xi32, #tpu.memory_space<vmem>>, vector<16xi32>,
      %gather3A_264 = tpu.vector_load_idx %arg6[%get3A_263] : memref<100000xf32, #tpu.memory_space<vmem>>[vector<16xi32>], vector<16xf32>,
      %add3A_265 = arith.constant 32 : i32
      %add3A_266 = arith.addi %add3A_265, %scan3A_227 : i32
      %swap3A_267 = arith.index_cast %add3A_266 : i32 to index
      %swap3A_268 = arith.constant 64 : index
      %swap3A_269 = tpu.vector_load %arg9[%swap3A_267, %swap3A_268] {strides = array<i32>} : memref<128x128xf32, #tpu.memory_space<vmem>>, vector<16xf32>,
      tpu.vector_store %arg9[%swap3A_267, %swap3A_268], %gather3A_264 {strides = array<i32>} : memref<128x128xf32, #tpu.memory_space<vmem>>, vector<16xf32>,
      %get3A_270 = arith.index_cast %scan3A_227 : i32 to index
      %get3A_271 = arith.constant 80 : index
      %get3A_272 = tpu.vector_load %arg8[%get3A_270, %get3A_271] {strides = array<i32>} : memref<32x128xi32, #tpu.memory_space<vmem>>, vector<16xi32>,
      %gather3A_273 = tpu.vector_load_idx %arg6[%get3A_272] : memref<100000xf32, #tpu.memory_space<vmem>>[vector<16xi32>], vector<16xf32>,
      %add3A_274 = arith.constant 32 : i32
      %add3A_275 = arith.addi %add3A_274, %scan3A_227 : i32
      %swap3A_276 = arith.index_cast %add3A_275 : i32 to index
      %swap3A_277 = arith.constant 80 : index
      %swap3A_278 = tpu.vector_load %arg9[%swap3A_276, %swap3A_277] {strides = array<i32>} : memref<128x128xf32, #tpu.memory_space<vmem>>, vector<16xf32>,
      tpu.vector_store %arg9[%swap3A_276, %swap3A_277], %gather3A_273 {strides = array<i32>} : memref<128x128xf32, #tpu.memory_space<vmem>>, vector<16xf32>,
      %get3A_279 = arith.index_cast %scan3A_227 : i32 to index
      %get3A_280 = arith.constant 96 : index
      %get3A_281 = tpu.vector_load %arg8[%get3A_279, %get3A_280] {strides = array<i32>} : memref<32x128xi32, #tpu.memory_space<vmem>>, vector<16xi32>,
      %gather3A_282 = tpu.vector_load_idx %arg6[%get3A_281] : memref<100000xf32, #tpu.memory_space<vmem>>[vector<16xi32>], vector<16xf32>,
      %add3A_283 = arith.constant 32 : i32
      %add3A_284 = arith.addi %add3A_283, %scan3A_227 : i32
      %swap3A_285 = arith.index_cast %add3A_284 : i32 to index
      %swap3A_286 = arith.constant 96 : index
      %swap3A_287 = tpu.vector_load %arg9[%swap3A_285, %swap3A_286] {strides = array<i32>} : memref<128x128xf32, #tpu.memory_space<vmem>>, vector<16xf32>,
      tpu.vector_store %arg9[%swap3A_285, %swap3A_286], %gather3A_282 {strides = array<i32>} : memref<128x128xf32, #tpu.memory_space<vmem>>, vector<16xf32>,
      %get3A_288 = arith.index_cast %scan3A_227 : i32 to index
      %get3A_289 = arith.constant 112 : index
      %get3A_290 = tpu.vector_load %arg8[%get3A_288, %get3A_289] {strides = array<i32>} : memref<32x128xi32, #tpu.memory_space<vmem>>, vector<16xi32>,
      %gather3A_291 = tpu.vector_load_idx %arg6[%get3A_290] : memref<100000xf32, #tpu.memory_space<vmem>>[vector<16xi32>], vector<16xf32>,
      %add3A_292 = arith.constant 32 : i32
      %add3A_293 = arith.addi %add3A_292, %scan3A_227 : i32
      %swap3A_294 = arith.index_cast %add3A_293 : i32 to index
      %swap3A_295 = arith.constant 112 : index
      %swap3A_296 = tpu.vector_load %arg9[%swap3A_294, %swap3A_295] {strides = array<i32>} : memref<128x128xf32, #tpu.memory_space<vmem>>, vector<16xf32>,
      tpu.vector_store %arg9[%swap3A_294, %swap3A_295], %gather3A_291 {strides = array<i32>} : memref<128x128xf32, #tpu.memory_space<vmem>>, vector<16xf32>,
      %scan3A_297 = arith.constant 1 : i32
      %scan3A_298 = arith.addi %scan3A_227, %scan3A_297 : i32
      %get3A_299 = arith.index_cast %scan3A_298 : i32 to index
      %get3A_300 = arith.constant 0 : index
      %get3A_301 = tpu.vector_load %arg8[%get3A_299, %get3A_300] {strides = array<i32>} : memref<32x128xi32, #tpu.memory_space<vmem>>, vector<16xi32>,
      %gather3A_302 = tpu.vector_load_idx %arg6[%get3A_301] : memref<100000xf32, #tpu.memory_space<vmem>>[vector<16xi32>], vector<16xf32>,
      %add3A_303 = arith.constant 32 : i32
      %add3A_304 = arith.addi %add3A_303, %scan3A_298 : i32
      %swap3A_305 = arith.index_cast %add3A_304 : i32 to index
      %swap3A_306 = arith.constant 0 : index
      %swap3A_307 = tpu.vector_load %arg9[%swap3A_305, %swap3A_306] {strides = array<i32>} : memref<128x128xf32, #tpu.memory_space<vmem>>, vector<16xf32>,
      tpu.vector_store %arg9[%swap3A_305, %swap3A_306], %gather3A_302 {strides = array<i32>} : memref<128x128xf32, #tpu.memory_space<vmem>>, vector<16xf32>,
      %get3A_308 = arith.index_cast %scan3A_298 : i32 to index
      %get3A_309 = arith.constant 16 : index
      %get3A_310 = tpu.vector_load %arg8[%get3A_308, %get3A_309] {strides = array<i32>} : memref<32x128xi32, #tpu.memory_space<vmem>>, vector<16xi32>,
      %gather3A_311 = tpu.vector_load_idx %arg6[%get3A_310] : memref<100000xf32, #tpu.memory_space<vmem>>[vector<16xi32>], vector<16xf32>,
      %add3A_312 = arith.constant 32 : i32
      %add3A_313 = arith.addi %add3A_312, %scan3A_298 : i32
      %swap3A_314 = arith.index_cast %add3A_313 : i32 to index
      %swap3A_315 = arith.constant 16 : index
      %swap3A_316 = tpu.vector_load %arg9[%swap3A_314, %swap3A_315] {strides = array<i32>} : memref<128x128xf32, #tpu.memory_space<vmem>>, vector<16xf32>,
      tpu.vector_store %arg9[%swap3A_314, %swap3A_315], %gather3A_311 {strides = array<i32>} : memref<128x128xf32, #tpu.memory_space<vmem>>, vector<16xf32>,
      %get3A_317 = arith.index_cast %scan3A_298 : i32 to index
      %get3A_318 = arith.constant 32 : index
      %get3A_319 = tpu.vector_load %arg8[%get3A_317, %get3A_318] {strides = array<i32>} : memref<32x128xi32, #tpu.memory_space<vmem>>, vector<16xi32>,
      %gather3A_320 = tpu.vector_load_idx %arg6[%get3A_319] : memref<100000xf32, #tpu.memory_space<vmem>>[vector<16xi32>], vector<16xf32>,
      %add3A_321 = arith.constant 32 : i32
      %add3A_322 = arith.addi %add3A_321, %scan3A_298 : i32
      %swap3A_323 = arith.index_cast %add3A_322 : i32 to index
      %swap3A_324 = arith.constant 32 : index
      %swap3A_325 = tpu.vector_load %arg9[%swap3A_323, %swap3A_324] {strides = array<i32>} : memref<128x128xf32, #tpu.memory_space<vmem>>, vector<16xf32>,
      tpu.vector_store %arg9[%swap3A_323, %swap3A_324], %gather3A_320 {strides = array<i32>} : memref<128x128xf32, #tpu.memory_space<vmem>>, vector<16xf32>,
      %get3A_326 = arith.index_cast %scan3A_298 : i32 to index
      %get3A_327 = arith.constant 48 : index
      %get3A_328 = tpu.vector_load %arg8[%get3A_326, %get3A_327] {strides = array<i32>} : memref<32x128xi32, #tpu.memory_space<vmem>>, vector<16xi32>,
      %gather3A_329 = tpu.vector_load_idx %arg6[%get3A_328] : memref<100000xf32, #tpu.memory_space<vmem>>[vector<16xi32>], vector<16xf32>,
      %add3A_330 = arith.constant 32 : i32
      %add3A_331 = arith.addi %add3A_330, %scan3A_298 : i32
      %swap3A_332 = arith.index_cast %add3A_331 : i32 to index
      %swap3A_333 = arith.constant 48 : index
      %swap3A_334 = tpu.vector_load %arg9[%swap3A_332, %swap3A_333] {strides = array<i32>} : memref<128x128xf32, #tpu.memory_space<vmem>>, vector<16xf32>,
      tpu.vector_store %arg9[%swap3A_332, %swap3A_333], %gather3A_329 {strides = array<i32>} : memref<128x128xf32, #tpu.memory_space<vmem>>, vector<16xf32>,
      %get3A_335 = arith.index_cast %scan3A_298 : i32 to index
      %get3A_336 = arith.constant 64 : index
      %get3A_337 = tpu.vector_load %arg8[%get3A_335, %get3A_336] {strides = array<i32>} : memref<32x128xi32, #tpu.memory_space<vmem>>, vector<16xi32>,
      %gather3A_338 = tpu.vector_load_idx %arg6[%get3A_337] : memref<100000xf32, #tpu.memory_space<vmem>>[vector<16xi32>], vector<16xf32>,
      %add3A_339 = arith.constant 32 : i32
      %add3A_340 = arith.addi %add3A_339, %scan3A_298 : i32
      %swap3A_341 = arith.index_cast %add3A_340 : i32 to index
      %swap3A_342 = arith.constant 64 : index
      %swap3A_343 = tpu.vector_load %arg9[%swap3A_341, %swap3A_342] {strides = array<i32>} : memref<128x128xf32, #tpu.memory_space<vmem>>, vector<16xf32>,
      tpu.vector_store %arg9[%swap3A_341, %swap3A_342], %gather3A_338 {strides = array<i32>} : memref<128x128xf32, #tpu.memory_space<vmem>>, vector<16xf32>,
      %get3A_344 = arith.index_cast %scan3A_298 : i32 to index
      %get3A_345 = arith.constant 80 : index
      %get3A_346 = tpu.vector_load %arg8[%get3A_344, %get3A_345] {strides = array<i32>} : memref<32x128xi32, #tpu.memory_space<vmem>>, vector<16xi32>,
      %gather3A_347 = tpu.vector_load_idx %arg6[%get3A_346] : memref<100000xf32, #tpu.memory_space<vmem>>[vector<16xi32>], vector<16xf32>,
      %add3A_348 = arith.constant 32 : i32
      %add3A_349 = arith.addi %add3A_348, %scan3A_298 : i32
      %swap3A_350 = arith.index_cast %add3A_349 : i32 to index
      %swap3A_351 = arith.constant 80 : index
      %swap3A_352 = tpu.vector_load %arg9[%swap3A_350, %swap3A_351] {strides = array<i32>} : memref<128x128xf32, #tpu.memory_space<vmem>>, vector<16xf32>,
      tpu.vector_store %arg9[%swap3A_350, %swap3A_351], %gather3A_347 {strides = array<i32>} : memref<128x128xf32, #tpu.memory_space<vmem>>, vector<16xf32>,
      %get3A_353 = arith.index_cast %scan3A_298 : i32 to index
      %get3A_354 = arith.constant 96 : index
      %get3A_355 = tpu.vector_load %arg8[%get3A_353, %get3A_354] {strides = array<i32>} : memref<32x128xi32, #tpu.memory_space<vmem>>, vector<16xi32>,
      %gather3A_356 = tpu.vector_load_idx %arg6[%get3A_355] : memref<100000xf32, #tpu.memory_space<vmem>>[vector<16xi32>], vector<16xf32>,
      %add3A_357 = arith.constant 32 : i32
      %add3A_358 = arith.addi %add3A_357, %scan3A_298 : i32
      %swap3A_359 = arith.index_cast %add3A_358 : i32 to index
      %swap3A_360 = arith.constant 96 : index
      %swap3A_361 = tpu.vector_load %arg9[%swap3A_359, %swap3A_360] {strides = array<i32>} : memref<128x128xf32, #tpu.memory_space<vmem>>, vector<16xf32>,
      tpu.vector_store %arg9[%swap3A_359, %swap3A_360], %gather3A_356 {strides = array<i32>} : memref<128x128xf32, #tpu.memory_space<vmem>>, vector<16xf32>,
      %get3A_362 = arith.index_cast %scan3A_298 : i32 to index
      %get3A_363 = arith.constant 112 : index
      %get3A_364 = tpu.vector_load %arg8[%get3A_362, %get3A_363] {strides = array<i32>} : memref<32x128xi32, #tpu.memory_space<vmem>>, vector<16xi32>,
      %gather3A_365 = tpu.vector_load_idx %arg6[%get3A_364] : memref<100000xf32, #tpu.memory_space<vmem>>[vector<16xi32>], vector<16xf32>,
      %add3A_366 = arith.constant 32 : i32
      %add3A_367 = arith.addi %add3A_366, %scan3A_298 : i32
      %swap3A_368 = arith.index_cast %add3A_367 : i32 to index
      %swap3A_369 = arith.constant 112 : index
      %swap3A_370 = tpu.vector_load %arg9[%swap3A_368, %swap3A_369] {strides = array<i32>} : memref<128x128xf32, #tpu.memory_space<vmem>>, vector<16xf32>,
      tpu.vector_store %arg9[%swap3A_368, %swap3A_369], %gather3A_365 {strides = array<i32>} : memref<128x128xf32, #tpu.memory_space<vmem>>, vector<16xf32>,
    }
    %scan3A_43 = arith.constant 32 : i32
    %dma_wait3A_44 = arith.constant 64 : i32
    %dma_wait3A_45 = arith.constant 0 : i32
    %dma_wait3A_46 = tpu.memref_slice %arg2[%dma_wait3A_44, %dma_wait3A_45] : memref<128x128xi32, #tpu.memory_space<hbm>> -> memref<32x128xi32, #tpu.memory_space<hbm>>
    %dma_wait3A_47 = arith.constant 64 : i32
    %dma_wait3A_48 = arith.constant 0 : i32
    %dma_wait3A_49 = tpu.memref_slice %arg2[%dma_wait3A_47, %dma_wait3A_48] : memref<128x128xi32, #tpu.memory_space<hbm>> -> memref<32x128xi32, #tpu.memory_space<hbm>>
    tpu.wait_dma2 semaphore(%arg11 : memref<!tpu.dma_semaphore, #tpu.memory_space<semaphore_mem>>) src(%dma_wait3A_49 : memref<32x128xi32, #tpu.memory_space<hbm>>) dst(%arg7 : memref<32x128xi32, #tpu.memory_space<vmem>>)
    %dma_start3A_50 = arith.constant 96 : i32
    %dma_start3A_51 = arith.constant 0 : i32
    %dma_start3A_52 = tpu.memref_slice %arg2[%dma_start3A_50, %dma_start3A_51] : memref<128x128xi32, #tpu.memory_space<hbm>> -> memref<32x128xi32, #tpu.memory_space<hbm>>
    %dma_start3A_53 = arith.constant 96 : i32
    %dma_start3A_54 = arith.constant 0 : i32
    %dma_start3A_55 = tpu.memref_slice %arg2[%dma_start3A_53, %dma_start3A_54] : memref<128x128xi32, #tpu.memory_space<hbm>> -> memref<32x128xi32, #tpu.memory_space<hbm>>
    tpu.enqueue_dma source(%dma_start3A_55 : memref<32x128xi32, #tpu.memory_space<hbm>>) target(%arg8 : memref<32x128xi32, #tpu.memory_space<vmem>>) target_semaphore(%arg11 : memref<!tpu.dma_semaphore, #tpu.memory_space<semaphore_mem>>)
    %scan3A_56 = arith.constant 0 : i32
    %scan3A_57 = arith.constant 0 : i32
    %scan3A_58 = arith.constant 32 : i32
    %scan3A_59 = arith.addi %scan3A_57, %scan3A_58 : i32
    %scan3A_60 = arith.constant 2 : i32
    scf.for %scan3A_227 = %scan3A_57 to %scan3A_59 step %scan3A_60  : i32 {
      %get3A = arith.index_cast %scan3A_227 : i32 to index
      %get3A_228 = arith.constant 0 : index
      %get3A_229 = tpu.vector_load %arg7[%get3A, %get3A_228] {strides = array<i32>} : memref<32x128xi32, #tpu.memory_space<vmem>>, vector<16xi32>,
      %gather3A = tpu.vector_load_idx %arg6[%get3A_229] : memref<100000xf32, #tpu.memory_space<vmem>>[vector<16xi32>], vector<16xf32>,
      %add3A_230 = arith.constant 64 : i32
      %add3A_231 = arith.addi %add3A_230, %scan3A_227 : i32
      %swap3A = arith.index_cast %add3A_231 : i32 to index
      %swap3A_232 = arith.constant 0 : index
      %swap3A_233 = tpu.vector_load %arg9[%swap3A, %swap3A_232] {strides = array<i32>} : memref<128x128xf32, #tpu.memory_space<vmem>>, vector<16xf32>,
      tpu.vector_store %arg9[%swap3A, %swap3A_232], %gather3A {strides = array<i32>} : memref<128x128xf32, #tpu.memory_space<vmem>>, vector<16xf32>,
      %get3A_234 = arith.index_cast %scan3A_227 : i32 to index
      %get3A_235 = arith.constant 16 : index
      %get3A_236 = tpu.vector_load %arg7[%get3A_234, %get3A_235] {strides = array<i32>} : memref<32x128xi32, #tpu.memory_space<vmem>>, vector<16xi32>,
      %gather3A_237 = tpu.vector_load_idx %arg6[%get3A_236] : memref<100000xf32, #tpu.memory_space<vmem>>[vector<16xi32>], vector<16xf32>,
      %add3A_238 = arith.constant 64 : i32
      %add3A_239 = arith.addi %add3A_238, %scan3A_227 : i32
      %swap3A_240 = arith.index_cast %add3A_239 : i32 to index
      %swap3A_241 = arith.constant 16 : index
      %swap3A_242 = tpu.vector_load %arg9[%swap3A_240, %swap3A_241] {strides = array<i32>} : memref<128x128xf32, #tpu.memory_space<vmem>>, vector<16xf32>,
      tpu.vector_store %arg9[%swap3A_240, %swap3A_241], %gather3A_237 {strides = array<i32>} : memref<128x128xf32, #tpu.memory_space<vmem>>, vector<16xf32>,
      %get3A_243 = arith.index_cast %scan3A_227 : i32 to index
      %get3A_244 = arith.constant 32 : index
      %get3A_245 = tpu.vector_load %arg7[%get3A_243, %get3A_244] {strides = array<i32>} : memref<32x128xi32, #tpu.memory_space<vmem>>, vector<16xi32>,
      %gather3A_246 = tpu.vector_load_idx %arg6[%get3A_245] : memref<100000xf32, #tpu.memory_space<vmem>>[vector<16xi32>], vector<16xf32>,
      %add3A_247 = arith.constant 64 : i32
      %add3A_248 = arith.addi %add3A_247, %scan3A_227 : i32
      %swap3A_249 = arith.index_cast %add3A_248 : i32 to index
      %swap3A_250 = arith.constant 32 : index
      %swap3A_251 = tpu.vector_load %arg9[%swap3A_249, %swap3A_250] {strides = array<i32>} : memref<128x128xf32, #tpu.memory_space<vmem>>, vector<16xf32>,
      tpu.vector_store %arg9[%swap3A_249, %swap3A_250], %gather3A_246 {strides = array<i32>} : memref<128x128xf32, #tpu.memory_space<vmem>>, vector<16xf32>,
      %get3A_252 = arith.index_cast %scan3A_227 : i32 to index
      %get3A_253 = arith.constant 48 : index
      %get3A_254 = tpu.vector_load %arg7[%get3A_252, %get3A_253] {strides = array<i32>} : memref<32x128xi32, #tpu.memory_space<vmem>>, vector<16xi32>,
      %gather3A_255 = tpu.vector_load_idx %arg6[%get3A_254] : memref<100000xf32, #tpu.memory_space<vmem>>[vector<16xi32>], vector<16xf32>,
      %add3A_256 = arith.constant 64 : i32
      %add3A_257 = arith.addi %add3A_256, %scan3A_227 : i32
      %swap3A_258 = arith.index_cast %add3A_257 : i32 to index
      %swap3A_259 = arith.constant 48 : index
      %swap3A_260 = tpu.vector_load %arg9[%swap3A_258, %swap3A_259] {strides = array<i32>} : memref<128x128xf32, #tpu.memory_space<vmem>>, vector<16xf32>,
      tpu.vector_store %arg9[%swap3A_258, %swap3A_259], %gather3A_255 {strides = array<i32>} : memref<128x128xf32, #tpu.memory_space<vmem>>, vector<16xf32>,
      %get3A_261 = arith.index_cast %scan3A_227 : i32 to index
      %get3A_262 = arith.constant 64 : index
      %get3A_263 = tpu.vector_load %arg7[%get3A_261, %get3A_262] {strides = array<i32>} : memref<32x128xi32, #tpu.memory_space<vmem>>, vector<16xi32>,
      %gather3A_264 = tpu.vector_load_idx %arg6[%get3A_263] : memref<100000xf32, #tpu.memory_space<vmem>>[vector<16xi32>], vector<16xf32>,
      %add3A_265 = arith.constant 64 : i32
      %add3A_266 = arith.addi %add3A_265, %scan3A_227 : i32
      %swap3A_267 = arith.index_cast %add3A_266 : i32 to index
      %swap3A_268 = arith.constant 64 : index
      %swap3A_269 = tpu.vector_load %arg9[%swap3A_267, %swap3A_268] {strides = array<i32>} : memref<128x128xf32, #tpu.memory_space<vmem>>, vector<16xf32>,
      tpu.vector_store %arg9[%swap3A_267, %swap3A_268], %gather3A_264 {strides = array<i32>} : memref<128x128xf32, #tpu.memory_space<vmem>>, vector<16xf32>,
      %get3A_270 = arith.index_cast %scan3A_227 : i32 to index
      %get3A_271 = arith.constant 80 : index
      %get3A_272 = tpu.vector_load %arg7[%get3A_270, %get3A_271] {strides = array<i32>} : memref<32x128xi32, #tpu.memory_space<vmem>>, vector<16xi32>,
      %gather3A_273 = tpu.vector_load_idx %arg6[%get3A_272] : memref<100000xf32, #tpu.memory_space<vmem>>[vector<16xi32>], vector<16xf32>,
      %add3A_274 = arith.constant 64 : i32
      %add3A_275 = arith.addi %add3A_274, %scan3A_227 : i32
      %swap3A_276 = arith.index_cast %add3A_275 : i32 to index
      %swap3A_277 = arith.constant 80 : index
      %swap3A_278 = tpu.vector_load %arg9[%swap3A_276, %swap3A_277] {strides = array<i32>} : memref<128x128xf32, #tpu.memory_space<vmem>>, vector<16xf32>,
      tpu.vector_store %arg9[%swap3A_276, %swap3A_277], %gather3A_273 {strides = array<i32>} : memref<128x128xf32, #tpu.memory_space<vmem>>, vector<16xf32>,
      %get3A_279 = arith.index_cast %scan3A_227 : i32 to index
      %get3A_280 = arith.constant 96 : index
      %get3A_281 = tpu.vector_load %arg7[%get3A_279, %get3A_280] {strides = array<i32>} : memref<32x128xi32, #tpu.memory_space<vmem>>, vector<16xi32>,
      %gather3A_282 = tpu.vector_load_idx %arg6[%get3A_281] : memref<100000xf32, #tpu.memory_space<vmem>>[vector<16xi32>], vector<16xf32>,
      %add3A_283 = arith.constant 64 : i32
      %add3A_284 = arith.addi %add3A_283, %scan3A_227 : i32
      %swap3A_285 = arith.index_cast %add3A_284 : i32 to index
      %swap3A_286 = arith.constant 96 : index
      %swap3A_287 = tpu.vector_load %arg9[%swap3A_285, %swap3A_286] {strides = array<i32>} : memref<128x128xf32, #tpu.memory_space<vmem>>, vector<16xf32>,
      tpu.vector_store %arg9[%swap3A_285, %swap3A_286], %gather3A_282 {strides = array<i32>} : memref<128x128xf32, #tpu.memory_space<vmem>>, vector<16xf32>,
      %get3A_288 = arith.index_cast %scan3A_227 : i32 to index
      %get3A_289 = arith.constant 112 : index
      %get3A_290 = tpu.vector_load %arg7[%get3A_288, %get3A_289] {strides = array<i32>} : memref<32x128xi32, #tpu.memory_space<vmem>>, vector<16xi32>,
      %gather3A_291 = tpu.vector_load_idx %arg6[%get3A_290] : memref<100000xf32, #tpu.memory_space<vmem>>[vector<16xi32>], vector<16xf32>,
      %add3A_292 = arith.constant 64 : i32
      %add3A_293 = arith.addi %add3A_292, %scan3A_227 : i32
      %swap3A_294 = arith.index_cast %add3A_293 : i32 to index
      %swap3A_295 = arith.constant 112 : index
      %swap3A_296 = tpu.vector_load %arg9[%swap3A_294, %swap3A_295] {strides = array<i32>} : memref<128x128xf32, #tpu.memory_space<vmem>>, vector<16xf32>,
      tpu.vector_store %arg9[%swap3A_294, %swap3A_295], %gather3A_291 {strides = array<i32>} : memref<128x128xf32, #tpu.memory_space<vmem>>, vector<16xf32>,
      %scan3A_297 = arith.constant 1 : i32
      %scan3A_298 = arith.addi %scan3A_227, %scan3A_297 : i32
      %get3A_299 = arith.index_cast %scan3A_298 : i32 to index
      %get3A_300 = arith.constant 0 : index
      %get3A_301 = tpu.vector_load %arg7[%get3A_299, %get3A_300] {strides = array<i32>} : memref<32x128xi32, #tpu.memory_space<vmem>>, vector<16xi32>,
      %gather3A_302 = tpu.vector_load_idx %arg6[%get3A_301] : memref<100000xf32, #tpu.memory_space<vmem>>[vector<16xi32>], vector<16xf32>,
      %add3A_303 = arith.constant 64 : i32
      %add3A_304 = arith.addi %add3A_303, %scan3A_298 : i32
      %swap3A_305 = arith.index_cast %add3A_304 : i32 to index
      %swap3A_306 = arith.constant 0 : index
      %swap3A_307 = tpu.vector_load %arg9[%swap3A_305, %swap3A_306] {strides = array<i32>} : memref<128x128xf32, #tpu.memory_space<vmem>>, vector<16xf32>,
      tpu.vector_store %arg9[%swap3A_305, %swap3A_306], %gather3A_302 {strides = array<i32>} : memref<128x128xf32, #tpu.memory_space<vmem>>, vector<16xf32>,
      %get3A_308 = arith.index_cast %scan3A_298 : i32 to index
      %get3A_309 = arith.constant 16 : index
      %get3A_310 = tpu.vector_load %arg7[%get3A_308, %get3A_309] {strides = array<i32>} : memref<32x128xi32, #tpu.memory_space<vmem>>, vector<16xi32>,
      %gather3A_311 = tpu.vector_load_idx %arg6[%get3A_310] : memref<100000xf32, #tpu.memory_space<vmem>>[vector<16xi32>], vector<16xf32>,
      %add3A_312 = arith.constant 64 : i32
      %add3A_313 = arith.addi %add3A_312, %scan3A_298 : i32
      %swap3A_314 = arith.index_cast %add3A_313 : i32 to index
      %swap3A_315 = arith.constant 16 : index
      %swap3A_316 = tpu.vector_load %arg9[%swap3A_314, %swap3A_315] {strides = array<i32>} : memref<128x128xf32, #tpu.memory_space<vmem>>, vector<16xf32>,
      tpu.vector_store %arg9[%swap3A_314, %swap3A_315], %gather3A_311 {strides = array<i32>} : memref<128x128xf32, #tpu.memory_space<vmem>>, vector<16xf32>,
      %get3A_317 = arith.index_cast %scan3A_298 : i32 to index
      %get3A_318 = arith.constant 32 : index
      %get3A_319 = tpu.vector_load %arg7[%get3A_317, %get3A_318] {strides = array<i32>} : memref<32x128xi32, #tpu.memory_space<vmem>>, vector<16xi32>,
      %gather3A_320 = tpu.vector_load_idx %arg6[%get3A_319] : memref<100000xf32, #tpu.memory_space<vmem>>[vector<16xi32>], vector<16xf32>,
      %add3A_321 = arith.constant 64 : i32
      %add3A_322 = arith.addi %add3A_321, %scan3A_298 : i32
      %swap3A_323 = arith.index_cast %add3A_322 : i32 to index
      %swap3A_324 = arith.constant 32 : index
      %swap3A_325 = tpu.vector_load %arg9[%swap3A_323, %swap3A_324] {strides = array<i32>} : memref<128x128xf32, #tpu.memory_space<vmem>>, vector<16xf32>,
      tpu.vector_store %arg9[%swap3A_323, %swap3A_324], %gather3A_320 {strides = array<i32>} : memref<128x128xf32, #tpu.memory_space<vmem>>, vector<16xf32>,
      %get3A_326 = arith.index_cast %scan3A_298 : i32 to index
      %get3A_327 = arith.constant 48 : index
      %get3A_328 = tpu.vector_load %arg7[%get3A_326, %get3A_327] {strides = array<i32>} : memref<32x128xi32, #tpu.memory_space<vmem>>, vector<16xi32>,
      %gather3A_329 = tpu.vector_load_idx %arg6[%get3A_328] : memref<100000xf32, #tpu.memory_space<vmem>>[vector<16xi32>], vector<16xf32>,
      %add3A_330 = arith.constant 64 : i32
      %add3A_331 = arith.addi %add3A_330, %scan3A_298 : i32
      %swap3A_332 = arith.index_cast %add3A_331 : i32 to index
      %swap3A_333 = arith.constant 48 : index
      %swap3A_334 = tpu.vector_load %arg9[%swap3A_332, %swap3A_333] {strides = array<i32>} : memref<128x128xf32, #tpu.memory_space<vmem>>, vector<16xf32>,
      tpu.vector_store %arg9[%swap3A_332, %swap3A_333], %gather3A_329 {strides = array<i32>} : memref<128x128xf32, #tpu.memory_space<vmem>>, vector<16xf32>,
      %get3A_335 = arith.index_cast %scan3A_298 : i32 to index
      %get3A_336 = arith.constant 64 : index
      %get3A_337 = tpu.vector_load %arg7[%get3A_335, %get3A_336] {strides = array<i32>} : memref<32x128xi32, #tpu.memory_space<vmem>>, vector<16xi32>,
      %gather3A_338 = tpu.vector_load_idx %arg6[%get3A_337] : memref<100000xf32, #tpu.memory_space<vmem>>[vector<16xi32>], vector<16xf32>,
      %add3A_339 = arith.constant 64 : i32
      %add3A_340 = arith.addi %add3A_339, %scan3A_298 : i32
      %swap3A_341 = arith.index_cast %add3A_340 : i32 to index
      %swap3A_342 = arith.constant 64 : index
      %swap3A_343 = tpu.vector_load %arg9[%swap3A_341, %swap3A_342] {strides = array<i32>} : memref<128x128xf32, #tpu.memory_space<vmem>>, vector<16xf32>,
      tpu.vector_store %arg9[%swap3A_341, %swap3A_342], %gather3A_338 {strides = array<i32>} : memref<128x128xf32, #tpu.memory_space<vmem>>, vector<16xf32>,
      %get3A_344 = arith.index_cast %scan3A_298 : i32 to index
      %get3A_345 = arith.constant 80 : index
      %get3A_346 = tpu.vector_load %arg7[%get3A_344, %get3A_345] {strides = array<i32>} : memref<32x128xi32, #tpu.memory_space<vmem>>, vector<16xi32>,
      %gather3A_347 = tpu.vector_load_idx %arg6[%get3A_346] : memref<100000xf32, #tpu.memory_space<vmem>>[vector<16xi32>], vector<16xf32>,
      %add3A_348 = arith.constant 64 : i32
      %add3A_349 = arith.addi %add3A_348, %scan3A_298 : i32
      %swap3A_350 = arith.index_cast %add3A_349 : i32 to index
      %swap3A_351 = arith.constant 80 : index
      %swap3A_352 = tpu.vector_load %arg9[%swap3A_350, %swap3A_351] {strides = array<i32>} : memref<128x128xf32, #tpu.memory_space<vmem>>, vector<16xf32>,
      tpu.vector_store %arg9[%swap3A_350, %swap3A_351], %gather3A_347 {strides = array<i32>} : memref<128x128xf32, #tpu.memory_space<vmem>>, vector<16xf32>,
      %get3A_353 = arith.index_cast %scan3A_298 : i32 to index
      %get3A_354 = arith.constant 96 : index
      %get3A_355 = tpu.vector_load %arg7[%get3A_353, %get3A_354] {strides = array<i32>} : memref<32x128xi32, #tpu.memory_space<vmem>>, vector<16xi32>,
      %gather3A_356 = tpu.vector_load_idx %arg6[%get3A_355] : memref<100000xf32, #tpu.memory_space<vmem>>[vector<16xi32>], vector<16xf32>,
      %add3A_357 = arith.constant 64 : i32
      %add3A_358 = arith.addi %add3A_357, %scan3A_298 : i32
      %swap3A_359 = arith.index_cast %add3A_358 : i32 to index
      %swap3A_360 = arith.constant 96 : index
      %swap3A_361 = tpu.vector_load %arg9[%swap3A_359, %swap3A_360] {strides = array<i32>} : memref<128x128xf32, #tpu.memory_space<vmem>>, vector<16xf32>,
      tpu.vector_store %arg9[%swap3A_359, %swap3A_360], %gather3A_356 {strides = array<i32>} : memref<128x128xf32, #tpu.memory_space<vmem>>, vector<16xf32>,
      %get3A_362 = arith.index_cast %scan3A_298 : i32 to index
      %get3A_363 = arith.constant 112 : index
      %get3A_364 = tpu.vector_load %arg7[%get3A_362, %get3A_363] {strides = array<i32>} : memref<32x128xi32, #tpu.memory_space<vmem>>, vector<16xi32>,
      %gather3A_365 = tpu.vector_load_idx %arg6[%get3A_364] : memref<100000xf32, #tpu.memory_space<vmem>>[vector<16xi32>], vector<16xf32>,
      %add3A_366 = arith.constant 64 : i32
      %add3A_367 = arith.addi %add3A_366, %scan3A_298 : i32
      %swap3A_368 = arith.index_cast %add3A_367 : i32 to index
      %swap3A_369 = arith.constant 112 : index
      %swap3A_370 = tpu.vector_load %arg9[%swap3A_368, %swap3A_369] {strides = array<i32>} : memref<128x128xf32, #tpu.memory_space<vmem>>, vector<16xf32>,
      tpu.vector_store %arg9[%swap3A_368, %swap3A_369], %gather3A_365 {strides = array<i32>} : memref<128x128xf32, #tpu.memory_space<vmem>>, vector<16xf32>,
    }
    %scan3A_61 = arith.constant 32 : i32
    %dma_wait3A_62 = arith.constant 96 : i32
    %dma_wait3A_63 = arith.constant 0 : i32
    %dma_wait3A_64 = tpu.memref_slice %arg2[%dma_wait3A_62, %dma_wait3A_63] : memref<128x128xi32, #tpu.memory_space<hbm>> -> memref<32x128xi32, #tpu.memory_space<hbm>>
    %dma_wait3A_65 = arith.constant 96 : i32
    %dma_wait3A_66 = arith.constant 0 : i32
    %dma_wait3A_67 = tpu.memref_slice %arg2[%dma_wait3A_65, %dma_wait3A_66] : memref<128x128xi32, #tpu.memory_space<hbm>> -> memref<32x128xi32, #tpu.memory_space<hbm>>
    tpu.wait_dma2 semaphore(%arg11 : memref<!tpu.dma_semaphore, #tpu.memory_space<semaphore_mem>>) src(%dma_wait3A_67 : memref<32x128xi32, #tpu.memory_space<hbm>>) dst(%arg8 : memref<32x128xi32, #tpu.memory_space<vmem>>)
    %scan3A_68 = arith.constant 0 : i32
    %scan3A_69 = arith.constant 0 : i32
    %scan3A_70 = arith.constant 32 : i32
    %scan3A_71 = arith.addi %scan3A_69, %scan3A_70 : i32
    %scan3A_72 = arith.constant 2 : i32
    scf.for %scan3A_227 = %scan3A_69 to %scan3A_71 step %scan3A_72  : i32 {
      %get3A = arith.index_cast %scan3A_227 : i32 to index
      %get3A_228 = arith.constant 0 : index
      %get3A_229 = tpu.vector_load %arg8[%get3A, %get3A_228] {strides = array<i32>} : memref<32x128xi32, #tpu.memory_space<vmem>>, vector<16xi32>,
      %gather3A = tpu.vector_load_idx %arg6[%get3A_229] : memref<100000xf32, #tpu.memory_space<vmem>>[vector<16xi32>], vector<16xf32>,
      %add3A_230 = arith.constant 96 : i32
      %add3A_231 = arith.addi %add3A_230, %scan3A_227 : i32
      %swap3A = arith.index_cast %add3A_231 : i32 to index
      %swap3A_232 = arith.constant 0 : index
      %swap3A_233 = tpu.vector_load %arg9[%swap3A, %swap3A_232] {strides = array<i32>} : memref<128x128xf32, #tpu.memory_space<vmem>>, vector<16xf32>,
      tpu.vector_store %arg9[%swap3A, %swap3A_232], %gather3A {strides = array<i32>} : memref<128x128xf32, #tpu.memory_space<vmem>>, vector<16xf32>,
      %get3A_234 = arith.index_cast %scan3A_227 : i32 to index
      %get3A_235 = arith.constant 16 : index
      %get3A_236 = tpu.vector_load %arg8[%get3A_234, %get3A_235] {strides = array<i32>} : memref<32x128xi32, #tpu.memory_space<vmem>>, vector<16xi32>,
      %gather3A_237 = tpu.vector_load_idx %arg6[%get3A_236] : memref<100000xf32, #tpu.memory_space<vmem>>[vector<16xi32>], vector<16xf32>,
      %add3A_238 = arith.constant 96 : i32
      %add3A_239 = arith.addi %add3A_238, %scan3A_227 : i32
      %swap3A_240 = arith.index_cast %add3A_239 : i32 to index
      %swap3A_241 = arith.constant 16 : index
      %swap3A_242 = tpu.vector_load %arg9[%swap3A_240, %swap3A_241] {strides = array<i32>} : memref<128x128xf32, #tpu.memory_space<vmem>>, vector<16xf32>,
      tpu.vector_store %arg9[%swap3A_240, %swap3A_241], %gather3A_237 {strides = array<i32>} : memref<128x128xf32, #tpu.memory_space<vmem>>, vector<16xf32>,
      %get3A_243 = arith.index_cast %scan3A_227 : i32 to index
      %get3A_244 = arith.constant 32 : index
      %get3A_245 = tpu.vector_load %arg8[%get3A_243, %get3A_244] {strides = array<i32>} : memref<32x128xi32, #tpu.memory_space<vmem>>, vector<16xi32>,
      %gather3A_246 = tpu.vector_load_idx %arg6[%get3A_245] : memref<100000xf32, #tpu.memory_space<vmem>>[vector<16xi32>], vector<16xf32>,
      %add3A_247 = arith.constant 96 : i32
      %add3A_248 = arith.addi %add3A_247, %scan3A_227 : i32
      %swap3A_249 = arith.index_cast %add3A_248 : i32 to index
      %swap3A_250 = arith.constant 32 : index
      %swap3A_251 = tpu.vector_load %arg9[%swap3A_249, %swap3A_250] {strides = array<i32>} : memref<128x128xf32, #tpu.memory_space<vmem>>, vector<16xf32>,
      tpu.vector_store %arg9[%swap3A_249, %swap3A_250], %gather3A_246 {strides = array<i32>} : memref<128x128xf32, #tpu.memory_space<vmem>>, vector<16xf32>,
      %get3A_252 = arith.index_cast %scan3A_227 : i32 to index
      %get3A_253 = arith.constant 48 : index
      %get3A_254 = tpu.vector_load %arg8[%get3A_252, %get3A_253] {strides = array<i32>} : memref<32x128xi32, #tpu.memory_space<vmem>>, vector<16xi32>,
      %gather3A_255 = tpu.vector_load_idx %arg6[%get3A_254] : memref<100000xf32, #tpu.memory_space<vmem>>[vector<16xi32>], vector<16xf32>,
      %add3A_256 = arith.constant 96 : i32
      %add3A_257 = arith.addi %add3A_256, %scan3A_227 : i32
      %swap3A_258 = arith.index_cast %add3A_257 : i32 to index
      %swap3A_259 = arith.constant 48 : index
      %swap3A_260 = tpu.vector_load %arg9[%swap3A_258, %swap3A_259] {strides = array<i32>} : memref<128x128xf32, #tpu.memory_space<vmem>>, vector<16xf32>,
      tpu.vector_store %arg9[%swap3A_258, %swap3A_259], %gather3A_255 {strides = array<i32>} : memref<128x128xf32, #tpu.memory_space<vmem>>, vector<16xf32>,
      %get3A_261 = arith.index_cast %scan3A_227 : i32 to index
      %get3A_262 = arith.constant 64 : index
      %get3A_263 = tpu.vector_load %arg8[%get3A_261, %get3A_262] {strides = array<i32>} : memref<32x128xi32, #tpu.memory_space<vmem>>, vector<16xi32>,
      %gather3A_264 = tpu.vector_load_idx %arg6[%get3A_263] : memref<100000xf32, #tpu.memory_space<vmem>>[vector<16xi32>], vector<16xf32>,
      %add3A_265 = arith.constant 96 : i32
      %add3A_266 = arith.addi %add3A_265, %scan3A_227 : i32
      %swap3A_267 = arith.index_cast %add3A_266 : i32 to index
      %swap3A_268 = arith.constant 64 : index
      %swap3A_269 = tpu.vector_load %arg9[%swap3A_267, %swap3A_268] {strides = array<i32>} : memref<128x128xf32, #tpu.memory_space<vmem>>, vector<16xf32>,
      tpu.vector_store %arg9[%swap3A_267, %swap3A_268], %gather3A_264 {strides = array<i32>} : memref<128x128xf32, #tpu.memory_space<vmem>>, vector<16xf32>,
      %get3A_270 = arith.index_cast %scan3A_227 : i32 to index
      %get3A_271 = arith.constant 80 : index
      %get3A_272 = tpu.vector_load %arg8[%get3A_270, %get3A_271] {strides = array<i32>} : memref<32x128xi32, #tpu.memory_space<vmem>>, vector<16xi32>,
      %gather3A_273 = tpu.vector_load_idx %arg6[%get3A_272] : memref<100000xf32, #tpu.memory_space<vmem>>[vector<16xi32>], vector<16xf32>,
      %add3A_274 = arith.constant 96 : i32
      %add3A_275 = arith.addi %add3A_274, %scan3A_227 : i32
      %swap3A_276 = arith.index_cast %add3A_275 : i32 to index
      %swap3A_277 = arith.constant 80 : index
      %swap3A_278 = tpu.vector_load %arg9[%swap3A_276, %swap3A_277] {strides = array<i32>} : memref<128x128xf32, #tpu.memory_space<vmem>>, vector<16xf32>,
      tpu.vector_store %arg9[%swap3A_276, %swap3A_277], %gather3A_273 {strides = array<i32>} : memref<128x128xf32, #tpu.memory_space<vmem>>, vector<16xf32>,
      %get3A_279 = arith.index_cast %scan3A_227 : i32 to index
      %get3A_280 = arith.constant 96 : index
      %get3A_281 = tpu.vector_load %arg8[%get3A_279, %get3A_280] {strides = array<i32>} : memref<32x128xi32, #tpu.memory_space<vmem>>, vector<16xi32>,
      %gather3A_282 = tpu.vector_load_idx %arg6[%get3A_281] : memref<100000xf32, #tpu.memory_space<vmem>>[vector<16xi32>], vector<16xf32>,
      %add3A_283 = arith.constant 96 : i32
      %add3A_284 = arith.addi %add3A_283, %scan3A_227 : i32
      %swap3A_285 = arith.index_cast %add3A_284 : i32 to index
      %swap3A_286 = arith.constant 96 : index
      %swap3A_287 = tpu.vector_load %arg9[%swap3A_285, %swap3A_286] {strides = array<i32>} : memref<128x128xf32, #tpu.memory_space<vmem>>, vector<16xf32>,
      tpu.vector_store %arg9[%swap3A_285, %swap3A_286], %gather3A_282 {strides = array<i32>} : memref<128x128xf32, #tpu.memory_space<vmem>>, vector<16xf32>,
      %get3A_288 = arith.index_cast %scan3A_227 : i32 to index
      %get3A_289 = arith.constant 112 : index
      %get3A_290 = tpu.vector_load %arg8[%get3A_288, %get3A_289] {strides = array<i32>} : memref<32x128xi32, #tpu.memory_space<vmem>>, vector<16xi32>,
      %gather3A_291 = tpu.vector_load_idx %arg6[%get3A_290] : memref<100000xf32, #tpu.memory_space<vmem>>[vector<16xi32>], vector<16xf32>,
      %add3A_292 = arith.constant 96 : i32
      %add3A_293 = arith.addi %add3A_292, %scan3A_227 : i32
      %swap3A_294 = arith.index_cast %add3A_293 : i32 to index
      %swap3A_295 = arith.constant 112 : index
      %swap3A_296 = tpu.vector_load %arg9[%swap3A_294, %swap3A_295] {strides = array<i32>} : memref<128x128xf32, #tpu.memory_space<vmem>>, vector<16xf32>,
      tpu.vector_store %arg9[%swap3A_294, %swap3A_295], %gather3A_291 {strides = array<i32>} : memref<128x128xf32, #tpu.memory_space<vmem>>, vector<16xf32>,
      %scan3A_297 = arith.constant 1 : i32
      %scan3A_298 = arith.addi %scan3A_227, %scan3A_297 : i32
      %get3A_299 = arith.index_cast %scan3A_298 : i32 to index
      %get3A_300 = arith.constant 0 : index
      %get3A_301 = tpu.vector_load %arg8[%get3A_299, %get3A_300] {strides = array<i32>} : memref<32x128xi32, #tpu.memory_space<vmem>>, vector<16xi32>,
      %gather3A_302 = tpu.vector_load_idx %arg6[%get3A_301] : memref<100000xf32, #tpu.memory_space<vmem>>[vector<16xi32>], vector<16xf32>,
      %add3A_303 = arith.constant 96 : i32
      %add3A_304 = arith.addi %add3A_303, %scan3A_298 : i32
      %swap3A_305 = arith.index_cast %add3A_304 : i32 to index
      %swap3A_306 = arith.constant 0 : index
      %swap3A_307 = tpu.vector_load %arg9[%swap3A_305, %swap3A_306] {strides = array<i32>} : memref<128x128xf32, #tpu.memory_space<vmem>>, vector<16xf32>,
      tpu.vector_store %arg9[%swap3A_305, %swap3A_306], %gather3A_302 {strides = array<i32>} : memref<128x128xf32, #tpu.memory_space<vmem>>, vector<16xf32>,
      %get3A_308 = arith.index_cast %scan3A_298 : i32 to index
      %get3A_309 = arith.constant 16 : index
      %get3A_310 = tpu.vector_load %arg8[%get3A_308, %get3A_309] {strides = array<i32>} : memref<32x128xi32, #tpu.memory_space<vmem>>, vector<16xi32>,
      %gather3A_311 = tpu.vector_load_idx %arg6[%get3A_310] : memref<100000xf32, #tpu.memory_space<vmem>>[vector<16xi32>], vector<16xf32>,
      %add3A_312 = arith.constant 96 : i32
      %add3A_313 = arith.addi %add3A_312, %scan3A_298 : i32
      %swap3A_314 = arith.index_cast %add3A_313 : i32 to index
      %swap3A_315 = arith.constant 16 : index
      %swap3A_316 = tpu.vector_load %arg9[%swap3A_314, %swap3A_315] {strides = array<i32>} : memref<128x128xf32, #tpu.memory_space<vmem>>, vector<16xf32>,
      tpu.vector_store %arg9[%swap3A_314, %swap3A_315], %gather3A_311 {strides = array<i32>} : memref<128x128xf32, #tpu.memory_space<vmem>>, vector<16xf32>,
      %get3A_317 = arith.index_cast %scan3A_298 : i32 to index
      %get3A_318 = arith.constant 32 : index
      %get3A_319 = tpu.vector_load %arg8[%get3A_317, %get3A_318] {strides = array<i32>} : memref<32x128xi32, #tpu.memory_space<vmem>>, vector<16xi32>,
      %gather3A_320 = tpu.vector_load_idx %arg6[%get3A_319] : memref<100000xf32, #tpu.memory_space<vmem>>[vector<16xi32>], vector<16xf32>,
      %add3A_321 = arith.constant 96 : i32
      %add3A_322 = arith.addi %add3A_321, %scan3A_298 : i32
      %swap3A_323 = arith.index_cast %add3A_322 : i32 to index
      %swap3A_324 = arith.constant 32 : index
      %swap3A_325 = tpu.vector_load %arg9[%swap3A_323, %swap3A_324] {strides = array<i32>} : memref<128x128xf32, #tpu.memory_space<vmem>>, vector<16xf32>,
      tpu.vector_store %arg9[%swap3A_323, %swap3A_324], %gather3A_320 {strides = array<i32>} : memref<128x128xf32, #tpu.memory_space<vmem>>, vector<16xf32>,
      %get3A_326 = arith.index_cast %scan3A_298 : i32 to index
      %get3A_327 = arith.constant 48 : index
      %get3A_328 = tpu.vector_load %arg8[%get3A_326, %get3A_327] {strides = array<i32>} : memref<32x128xi32, #tpu.memory_space<vmem>>, vector<16xi32>,
      %gather3A_329 = tpu.vector_load_idx %arg6[%get3A_328] : memref<100000xf32, #tpu.memory_space<vmem>>[vector<16xi32>], vector<16xf32>,
      %add3A_330 = arith.constant 96 : i32
      %add3A_331 = arith.addi %add3A_330, %scan3A_298 : i32
      %swap3A_332 = arith.index_cast %add3A_331 : i32 to index
      %swap3A_333 = arith.constant 48 : index
      %swap3A_334 = tpu.vector_load %arg9[%swap3A_332, %swap3A_333] {strides = array<i32>} : memref<128x128xf32, #tpu.memory_space<vmem>>, vector<16xf32>,
      tpu.vector_store %arg9[%swap3A_332, %swap3A_333], %gather3A_329 {strides = array<i32>} : memref<128x128xf32, #tpu.memory_space<vmem>>, vector<16xf32>,
      %get3A_335 = arith.index_cast %scan3A_298 : i32 to index
      %get3A_336 = arith.constant 64 : index
      %get3A_337 = tpu.vector_load %arg8[%get3A_335, %get3A_336] {strides = array<i32>} : memref<32x128xi32, #tpu.memory_space<vmem>>, vector<16xi32>,
      %gather3A_338 = tpu.vector_load_idx %arg6[%get3A_337] : memref<100000xf32, #tpu.memory_space<vmem>>[vector<16xi32>], vector<16xf32>,
      %add3A_339 = arith.constant 96 : i32
      %add3A_340 = arith.addi %add3A_339, %scan3A_298 : i32
      %swap3A_341 = arith.index_cast %add3A_340 : i32 to index
      %swap3A_342 = arith.constant 64 : index
      %swap3A_343 = tpu.vector_load %arg9[%swap3A_341, %swap3A_342] {strides = array<i32>} : memref<128x128xf32, #tpu.memory_space<vmem>>, vector<16xf32>,
      tpu.vector_store %arg9[%swap3A_341, %swap3A_342], %gather3A_338 {strides = array<i32>} : memref<128x128xf32, #tpu.memory_space<vmem>>, vector<16xf32>,
      %get3A_344 = arith.index_cast %scan3A_298 : i32 to index
      %get3A_345 = arith.constant 80 : index
      %get3A_346 = tpu.vector_load %arg8[%get3A_344, %get3A_345] {strides = array<i32>} : memref<32x128xi32, #tpu.memory_space<vmem>>, vector<16xi32>,
      %gather3A_347 = tpu.vector_load_idx %arg6[%get3A_346] : memref<100000xf32, #tpu.memory_space<vmem>>[vector<16xi32>], vector<16xf32>,
      %add3A_348 = arith.constant 96 : i32
      %add3A_349 = arith.addi %add3A_348, %scan3A_298 : i32
      %swap3A_350 = arith.index_cast %add3A_349 : i32 to index
      %swap3A_351 = arith.constant 80 : index
      %swap3A_352 = tpu.vector_load %arg9[%swap3A_350, %swap3A_351] {strides = array<i32>} : memref<128x128xf32, #tpu.memory_space<vmem>>, vector<16xf32>,
      tpu.vector_store %arg9[%swap3A_350, %swap3A_351], %gather3A_347 {strides = array<i32>} : memref<128x128xf32, #tpu.memory_space<vmem>>, vector<16xf32>,
      %get3A_353 = arith.index_cast %scan3A_298 : i32 to index
      %get3A_354 = arith.constant 96 : index
      %get3A_355 = tpu.vector_load %arg8[%get3A_353, %get3A_354] {strides = array<i32>} : memref<32x128xi32, #tpu.memory_space<vmem>>, vector<16xi32>,
      %gather3A_356 = tpu.vector_load_idx %arg6[%get3A_355] : memref<100000xf32, #tpu.memory_space<vmem>>[vector<16xi32>], vector<16xf32>,
      %add3A_357 = arith.constant 96 : i32
      %add3A_358 = arith.addi %add3A_357, %scan3A_298 : i32
      %swap3A_359 = arith.index_cast %add3A_358 : i32 to index
      %swap3A_360 = arith.constant 96 : index
      %swap3A_361 = tpu.vector_load %arg9[%swap3A_359, %swap3A_360] {strides = array<i32>} : memref<128x128xf32, #tpu.memory_space<vmem>>, vector<16xf32>,
      tpu.vector_store %arg9[%swap3A_359, %swap3A_360], %gather3A_356 {strides = array<i32>} : memref<128x128xf32, #tpu.memory_space<vmem>>, vector<16xf32>,
      %get3A_362 = arith.index_cast %scan3A_298 : i32 to index
      %get3A_363 = arith.constant 112 : index
      %get3A_364 = tpu.vector_load %arg8[%get3A_362, %get3A_363] {strides = array<i32>} : memref<32x128xi32, #tpu.memory_space<vmem>>, vector<16xi32>,
      %gather3A_365 = tpu.vector_load_idx %arg6[%get3A_364] : memref<100000xf32, #tpu.memory_space<vmem>>[vector<16xi32>], vector<16xf32>,
      %add3A_366 = arith.constant 96 : i32
      %add3A_367 = arith.addi %add3A_366, %scan3A_298 : i32
      %swap3A_368 = arith.index_cast %add3A_367 : i32 to index
      %swap3A_369 = arith.constant 112 : index
      %swap3A_370 = tpu.vector_load %arg9[%swap3A_368, %swap3A_369] {strides = array<i32>} : memref<128x128xf32, #tpu.memory_space<vmem>>, vector<16xf32>,
      tpu.vector_store %arg9[%swap3A_368, %swap3A_369], %gather3A_365 {strides = array<i32>} : memref<128x128xf32, #tpu.memory_space<vmem>>, vector<16xf32>,
    }
    %scan3A_73 = arith.constant 32 : i32
    %jit3A = arith.constant 8 : i32
    %div3A = arith.divsi %add3A_4, %jit3A : i32
    %sign3A = arith.constant 0 : i32
    %sign3A_74 = arith.cmpi sgt, %add3A_4, %sign3A : i32
    %sign3A_75 = arith.extui %sign3A_74 : i1 to i32
    %sign3A_76 = arith.constant 0 : i32
    %sign3A_77 = arith.cmpi slt, %add3A_4, %sign3A_76 : i32
    %sign3A_78 = arith.extui %sign3A_77 : i1 to i32
    %sign3A_79 = arith.subi %sign3A_75, %sign3A_78 : i32
    %sign3A_80 = arith.constant 0 : i32
    %sign3A_81 = arith.cmpi sgt, %jit3A, %sign3A_80 : i32
    %sign3A_82 = arith.extui %sign3A_81 : i1 to i32
    %sign3A_83 = arith.constant 0 : i32
    %sign3A_84 = arith.cmpi slt, %jit3A, %sign3A_83 : i32
    %sign3A_85 = arith.extui %sign3A_84 : i1 to i32
    %sign3A_86 = arith.subi %sign3A_82, %sign3A_85 : i32
    %ne3A = arith.cmpi ne, %sign3A_79, %sign3A_86 : i32
    %rem3A = arith.remsi %add3A_4, %jit3A : i32
    %ne3A_87 = arith.constant 0 : i32
    %ne3A_88 = arith.cmpi ne, %rem3A, %ne3A_87 : i32
    %and3A = arith.andi %ne3A, %ne3A_88 : i1
    %sub3A = arith.constant 1 : i32
    %sub3A_89 = arith.subi %div3A, %sub3A : i32
    %select_n3A = arith.select %and3A, %sub3A_89, %div3A : i32
    %jit3A_90 = arith.constant 8 : i32
    %eq3A = arith.constant 0 : i32
    %eq3A_91 = arith.cmpi eq, %jit3A_90, %eq3A : i32
    %jit3A_92 = arith.constant 1 : i32
    %select_n3A_93 = arith.select %eq3A_91, %jit3A_92, %jit3A_90 : i32
    %rem3A_94 = arith.remsi %add3A_4, %select_n3A_93 : i32
    %ne3A_95 = arith.constant 0 : i32
    %ne3A_96 = arith.cmpi ne, %rem3A_94, %ne3A_95 : i32
    %lt3A = arith.constant 0 : i32
    %lt3A_97 = arith.cmpi slt, %rem3A_94, %lt3A : i32
    %lt3A_98 = arith.constant 0 : i32
    %lt3A_99 = arith.cmpi slt, %select_n3A_93, %lt3A_98 : i32
    %ne3A_100 = arith.xori %lt3A_97, %lt3A_99 : i1
    %and3A_101 = arith.andi %ne3A_100, %ne3A_96 : i1
    %add3A_102 = arith.addi %rem3A_94, %select_n3A_93 : i32
    %select_n3A_103 = arith.select %and3A_101, %add3A_102, %rem3A_94 : i32
    %mul3A_104 = arith.constant 128 : i32
    %mul3A_105 = arith.muli %select_n3A_103, %mul3A_104 : i32
    "tpu.region"() ({
      %run_scoped3A = tpu.sem_alloc : memref<!tpu.dma_semaphore, #tpu.memory_space<semaphore_mem>>
      %dma_start3A_227 = arith.constant 0 : i32
      %dma_start3A_228 = tpu.memref_slice %arg5[%select_n3A, %dma_start3A_227, %mul3A_105] : memref<9x128x1024xf32, #tpu.memory_space<hbm>> -> memref<1x128x128xf32, #tpu.memory_space<hbm>>
      %dma_start3A_229 = tpu.memref_squeeze %dma_start3A_228 : memref<1x128x128xf32, #tpu.memory_space<hbm>> -> memref<128x128xf32, #tpu.memory_space<hbm>>
      %dma_start3A_230 = arith.constant 0 : i32
      %dma_start3A_231 = tpu.memref_slice %arg5[%select_n3A, %dma_start3A_230, %mul3A_105] : memref<9x128x1024xf32, #tpu.memory_space<hbm>> -> memref<1x128x128xf32, #tpu.memory_space<hbm>>
      %dma_start3A_232 = tpu.memref_squeeze %dma_start3A_231 : memref<1x128x128xf32, #tpu.memory_space<hbm>> -> memref<128x128xf32, #tpu.memory_space<hbm>>
      tpu.enqueue_dma source(%arg9 : memref<128x128xf32, #tpu.memory_space<vmem>>) target(%dma_start3A_232 : memref<128x128xf32, #tpu.memory_space<hbm>>) target_semaphore(%run_scoped3A : memref<!tpu.dma_semaphore, #tpu.memory_space<semaphore_mem>>)
      %dma_wait3A_233 = arith.constant 0 : i32
      %dma_wait3A_234 = tpu.memref_slice %arg5[%select_n3A, %dma_wait3A_233, %mul3A_105] : memref<9x128x1024xf32, #tpu.memory_space<hbm>> -> memref<1x128x128xf32, #tpu.memory_space<hbm>>
      %dma_wait3A_235 = tpu.memref_squeeze %dma_wait3A_234 : memref<1x128x128xf32, #tpu.memory_space<hbm>> -> memref<128x128xf32, #tpu.memory_space<hbm>>
      %dma_wait3A_236 = arith.constant 0 : i32
      %dma_wait3A_237 = tpu.memref_slice %arg5[%select_n3A, %dma_wait3A_236, %mul3A_105] : memref<9x128x1024xf32, #tpu.memory_space<hbm>> -> memref<1x128x128xf32, #tpu.memory_space<hbm>>
      %dma_wait3A_238 = tpu.memref_squeeze %dma_wait3A_237 : memref<1x128x128xf32, #tpu.memory_space<hbm>> -> memref<128x128xf32, #tpu.memory_space<hbm>>
      tpu.wait_dma2 semaphore(%run_scoped3A : memref<!tpu.dma_semaphore, #tpu.memory_space<semaphore_mem>>) src(%arg9 : memref<128x128xf32, #tpu.memory_space<vmem>>) dst(%dma_wait3A_238 : memref<128x128xf32, #tpu.memory_space<hbm>>)
      tpu.yield
    }) : () -> ()
    %mul3A_106 = arith.constant 2 : i32
    %mul3A_107 = arith.muli %add3A, %mul3A_106 : i32
    %add3A_108 = arith.constant 1 : i32
    %add3A_109 = arith.addi %mul3A_107, %add3A_108 : i32
    %dma_start3A_110 = arith.constant 0 : i32
    %dma_start3A_111 = arith.constant 0 : i32
    %dma_start3A_112 = tpu.memref_slice %arg2[%dma_start3A_110, %dma_start3A_111] : memref<128x128xi32, #tpu.memory_space<hbm>> -> memref<32x128xi32, #tpu.memory_space<hbm>>
    %dma_start3A_113 = arith.constant 0 : i32
    %dma_start3A_114 = arith.constant 0 : i32
    %dma_start3A_115 = tpu.memref_slice %arg2[%dma_start3A_113, %dma_start3A_114] : memref<128x128xi32, #tpu.memory_space<hbm>> -> memref<32x128xi32, #tpu.memory_space<hbm>>
    tpu.enqueue_dma source(%dma_start3A_115 : memref<32x128xi32, #tpu.memory_space<hbm>>) target(%arg7 : memref<32x128xi32, #tpu.memory_space<vmem>>) target_semaphore(%arg11 : memref<!tpu.dma_semaphore, #tpu.memory_space<semaphore_mem>>)
    "tpu.region"() ({
      %run_scoped3A = tpu.sem_alloc : memref<!tpu.dma_semaphore, #tpu.memory_space<semaphore_mem>>
      %dma_start3A_227 = arith.constant 0 : i32
      %dma_start3A_228 = tpu.memref_slice %arg4[%add3A_109, %dma_start3A_227] : memref<64x100000xf32, #tpu.memory_space<hbm>> -> memref<1x100000xf32, #tpu.memory_space<hbm>>
      %dma_start3A_229 = tpu.memref_squeeze %dma_start3A_228 : memref<1x100000xf32, #tpu.memory_space<hbm>> -> memref<100000xf32, #tpu.memory_space<hbm>>
      %dma_start3A_230 = arith.constant 0 : i32
      %dma_start3A_231 = tpu.memref_slice %arg4[%add3A_109, %dma_start3A_230] : memref<64x100000xf32, #tpu.memory_space<hbm>> -> memref<1x100000xf32, #tpu.memory_space<hbm>>
      %dma_start3A_232 = tpu.memref_squeeze %dma_start3A_231 : memref<1x100000xf32, #tpu.memory_space<hbm>> -> memref<100000xf32, #tpu.memory_space<hbm>>
      tpu.enqueue_dma source(%dma_start3A_232 : memref<100000xf32, #tpu.memory_space<hbm>>) target(%arg6 : memref<100000xf32, #tpu.memory_space<vmem>>) target_semaphore(%run_scoped3A : memref<!tpu.dma_semaphore, #tpu.memory_space<semaphore_mem>>)
      %dma_wait3A_233 = arith.constant 0 : i32
      %dma_wait3A_234 = tpu.memref_slice %arg4[%add3A_109, %dma_wait3A_233] : memref<64x100000xf32, #tpu.memory_space<hbm>> -> memref<1x100000xf32, #tpu.memory_space<hbm>>
      %dma_wait3A_235 = tpu.memref_squeeze %dma_wait3A_234 : memref<1x100000xf32, #tpu.memory_space<hbm>> -> memref<100000xf32, #tpu.memory_space<hbm>>
      %dma_wait3A_236 = arith.constant 0 : i32
      %dma_wait3A_237 = tpu.memref_slice %arg4[%add3A_109, %dma_wait3A_236] : memref<64x100000xf32, #tpu.memory_space<hbm>> -> memref<1x100000xf32, #tpu.memory_space<hbm>>
      %dma_wait3A_238 = tpu.memref_squeeze %dma_wait3A_237 : memref<1x100000xf32, #tpu.memory_space<hbm>> -> memref<100000xf32, #tpu.memory_space<hbm>>
      tpu.wait_dma2 semaphore(%run_scoped3A : memref<!tpu.dma_semaphore, #tpu.memory_space<semaphore_mem>>) src(%dma_wait3A_238 : memref<100000xf32, #tpu.memory_space<hbm>>) dst(%arg6 : memref<100000xf32, #tpu.memory_space<vmem>>)
      tpu.yield
    }) : () -> ()
    %dma_wait3A_116 = arith.constant 0 : i32
    %dma_wait3A_117 = arith.constant 0 : i32
    %dma_wait3A_118 = tpu.memref_slice %arg2[%dma_wait3A_116, %dma_wait3A_117] : memref<128x128xi32, #tpu.memory_space<hbm>> -> memref<32x128xi32, #tpu.memory_space<hbm>>
    %dma_wait3A_119 = arith.constant 0 : i32
    %dma_wait3A_120 = arith.constant 0 : i32
    %dma_wait3A_121 = tpu.memref_slice %arg2[%dma_wait3A_119, %dma_wait3A_120] : memref<128x128xi32, #tpu.memory_space<hbm>> -> memref<32x128xi32, #tpu.memory_space<hbm>>
    tpu.wait_dma2 semaphore(%arg11 : memref<!tpu.dma_semaphore, #tpu.memory_space<semaphore_mem>>) src(%dma_wait3A_121 : memref<32x128xi32, #tpu.memory_space<hbm>>) dst(%arg7 : memref<32x128xi32, #tpu.memory_space<vmem>>)
    %dma_start3A_122 = arith.constant 32 : i32
    %dma_start3A_123 = arith.constant 0 : i32
    %dma_start3A_124 = tpu.memref_slice %arg2[%dma_start3A_122, %dma_start3A_123] : memref<128x128xi32, #tpu.memory_space<hbm>> -> memref<32x128xi32, #tpu.memory_space<hbm>>
    %dma_start3A_125 = arith.constant 32 : i32
    %dma_start3A_126 = arith.constant 0 : i32
    %dma_start3A_127 = tpu.memref_slice %arg2[%dma_start3A_125, %dma_start3A_126] : memref<128x128xi32, #tpu.memory_space<hbm>> -> memref<32x128xi32, #tpu.memory_space<hbm>>
    tpu.enqueue_dma source(%dma_start3A_127 : memref<32x128xi32, #tpu.memory_space<hbm>>) target(%arg8 : memref<32x128xi32, #tpu.memory_space<vmem>>) target_semaphore(%arg11 : memref<!tpu.dma_semaphore, #tpu.memory_space<semaphore_mem>>)
    %scan3A_128 = arith.constant 0 : i32
    %scan3A_129 = arith.constant 0 : i32
    %scan3A_130 = arith.constant 32 : i32
    %scan3A_131 = arith.addi %scan3A_129, %scan3A_130 : i32
    %scan3A_132 = arith.constant 2 : i32
    scf.for %scan3A_227 = %scan3A_129 to %scan3A_131 step %scan3A_132  : i32 {
      %get3A = arith.index_cast %scan3A_227 : i32 to index
      %get3A_228 = arith.constant 0 : index
      %get3A_229 = tpu.vector_load %arg7[%get3A, %get3A_228] {strides = array<i32>} : memref<32x128xi32, #tpu.memory_space<vmem>>, vector<16xi32>,
      %gather3A = tpu.vector_load_idx %arg6[%get3A_229] : memref<100000xf32, #tpu.memory_space<vmem>>[vector<16xi32>], vector<16xf32>,
      %add3A_230 = arith.constant 0 : i32
      %add3A_231 = arith.addi %add3A_230, %scan3A_227 : i32
      %swap3A = arith.index_cast %add3A_231 : i32 to index
      %swap3A_232 = arith.constant 0 : index
      %swap3A_233 = tpu.vector_load %arg9[%swap3A, %swap3A_232] {strides = array<i32>} : memref<128x128xf32, #tpu.memory_space<vmem>>, vector<16xf32>,
      tpu.vector_store %arg9[%swap3A, %swap3A_232], %gather3A {strides = array<i32>} : memref<128x128xf32, #tpu.memory_space<vmem>>, vector<16xf32>,
      %get3A_234 = arith.index_cast %scan3A_227 : i32 to index
      %get3A_235 = arith.constant 16 : index
      %get3A_236 = tpu.vector_load %arg7[%get3A_234, %get3A_235] {strides = array<i32>} : memref<32x128xi32, #tpu.memory_space<vmem>>, vector<16xi32>,
      %gather3A_237 = tpu.vector_load_idx %arg6[%get3A_236] : memref<100000xf32, #tpu.memory_space<vmem>>[vector<16xi32>], vector<16xf32>,
      %add3A_238 = arith.constant 0 : i32
      %add3A_239 = arith.addi %add3A_238, %scan3A_227 : i32
      %swap3A_240 = arith.index_cast %add3A_239 : i32 to index
      %swap3A_241 = arith.constant 16 : index
      %swap3A_242 = tpu.vector_load %arg9[%swap3A_240, %swap3A_241] {strides = array<i32>} : memref<128x128xf32, #tpu.memory_space<vmem>>, vector<16xf32>,
      tpu.vector_store %arg9[%swap3A_240, %swap3A_241], %gather3A_237 {strides = array<i32>} : memref<128x128xf32, #tpu.memory_space<vmem>>, vector<16xf32>,
      %get3A_243 = arith.index_cast %scan3A_227 : i32 to index
      %get3A_244 = arith.constant 32 : index
      %get3A_245 = tpu.vector_load %arg7[%get3A_243, %get3A_244] {strides = array<i32>} : memref<32x128xi32, #tpu.memory_space<vmem>>, vector<16xi32>,
      %gather3A_246 = tpu.vector_load_idx %arg6[%get3A_245] : memref<100000xf32, #tpu.memory_space<vmem>>[vector<16xi32>], vector<16xf32>,
      %add3A_247 = arith.constant 0 : i32
      %add3A_248 = arith.addi %add3A_247, %scan3A_227 : i32
      %swap3A_249 = arith.index_cast %add3A_248 : i32 to index
      %swap3A_250 = arith.constant 32 : index
      %swap3A_251 = tpu.vector_load %arg9[%swap3A_249, %swap3A_250] {strides = array<i32>} : memref<128x128xf32, #tpu.memory_space<vmem>>, vector<16xf32>,
      tpu.vector_store %arg9[%swap3A_249, %swap3A_250], %gather3A_246 {strides = array<i32>} : memref<128x128xf32, #tpu.memory_space<vmem>>, vector<16xf32>,
      %get3A_252 = arith.index_cast %scan3A_227 : i32 to index
      %get3A_253 = arith.constant 48 : index
      %get3A_254 = tpu.vector_load %arg7[%get3A_252, %get3A_253] {strides = array<i32>} : memref<32x128xi32, #tpu.memory_space<vmem>>, vector<16xi32>,
      %gather3A_255 = tpu.vector_load_idx %arg6[%get3A_254] : memref<100000xf32, #tpu.memory_space<vmem>>[vector<16xi32>], vector<16xf32>,
      %add3A_256 = arith.constant 0 : i32
      %add3A_257 = arith.addi %add3A_256, %scan3A_227 : i32
      %swap3A_258 = arith.index_cast %add3A_257 : i32 to index
      %swap3A_259 = arith.constant 48 : index
      %swap3A_260 = tpu.vector_load %arg9[%swap3A_258, %swap3A_259] {strides = array<i32>} : memref<128x128xf32, #tpu.memory_space<vmem>>, vector<16xf32>,
      tpu.vector_store %arg9[%swap3A_258, %swap3A_259], %gather3A_255 {strides = array<i32>} : memref<128x128xf32, #tpu.memory_space<vmem>>, vector<16xf32>,
      %get3A_261 = arith.index_cast %scan3A_227 : i32 to index
      %get3A_262 = arith.constant 64 : index
      %get3A_263 = tpu.vector_load %arg7[%get3A_261, %get3A_262] {strides = array<i32>} : memref<32x128xi32, #tpu.memory_space<vmem>>, vector<16xi32>,
      %gather3A_264 = tpu.vector_load_idx %arg6[%get3A_263] : memref<100000xf32, #tpu.memory_space<vmem>>[vector<16xi32>], vector<16xf32>,
      %add3A_265 = arith.constant 0 : i32
      %add3A_266 = arith.addi %add3A_265, %scan3A_227 : i32
      %swap3A_267 = arith.index_cast %add3A_266 : i32 to index
      %swap3A_268 = arith.constant 64 : index
      %swap3A_269 = tpu.vector_load %arg9[%swap3A_267, %swap3A_268] {strides = array<i32>} : memref<128x128xf32, #tpu.memory_space<vmem>>, vector<16xf32>,
      tpu.vector_store %arg9[%swap3A_267, %swap3A_268], %gather3A_264 {strides = array<i32>} : memref<128x128xf32, #tpu.memory_space<vmem>>, vector<16xf32>,
      %get3A_270 = arith.index_cast %scan3A_227 : i32 to index
      %get3A_271 = arith.constant 80 : index
      %get3A_272 = tpu.vector_load %arg7[%get3A_270, %get3A_271] {strides = array<i32>} : memref<32x128xi32, #tpu.memory_space<vmem>>, vector<16xi32>,
      %gather3A_273 = tpu.vector_load_idx %arg6[%get3A_272] : memref<100000xf32, #tpu.memory_space<vmem>>[vector<16xi32>], vector<16xf32>,
      %add3A_274 = arith.constant 0 : i32
      %add3A_275 = arith.addi %add3A_274, %scan3A_227 : i32
      %swap3A_276 = arith.index_cast %add3A_275 : i32 to index
      %swap3A_277 = arith.constant 80 : index
      %swap3A_278 = tpu.vector_load %arg9[%swap3A_276, %swap3A_277] {strides = array<i32>} : memref<128x128xf32, #tpu.memory_space<vmem>>, vector<16xf32>,
      tpu.vector_store %arg9[%swap3A_276, %swap3A_277], %gather3A_273 {strides = array<i32>} : memref<128x128xf32, #tpu.memory_space<vmem>>, vector<16xf32>,
      %get3A_279 = arith.index_cast %scan3A_227 : i32 to index
      %get3A_280 = arith.constant 96 : index
      %get3A_281 = tpu.vector_load %arg7[%get3A_279, %get3A_280] {strides = array<i32>} : memref<32x128xi32, #tpu.memory_space<vmem>>, vector<16xi32>,
      %gather3A_282 = tpu.vector_load_idx %arg6[%get3A_281] : memref<100000xf32, #tpu.memory_space<vmem>>[vector<16xi32>], vector<16xf32>,
      %add3A_283 = arith.constant 0 : i32
      %add3A_284 = arith.addi %add3A_283, %scan3A_227 : i32
      %swap3A_285 = arith.index_cast %add3A_284 : i32 to index
      %swap3A_286 = arith.constant 96 : index
      %swap3A_287 = tpu.vector_load %arg9[%swap3A_285, %swap3A_286] {strides = array<i32>} : memref<128x128xf32, #tpu.memory_space<vmem>>, vector<16xf32>,
      tpu.vector_store %arg9[%swap3A_285, %swap3A_286], %gather3A_282 {strides = array<i32>} : memref<128x128xf32, #tpu.memory_space<vmem>>, vector<16xf32>,
      %get3A_288 = arith.index_cast %scan3A_227 : i32 to index
      %get3A_289 = arith.constant 112 : index
      %get3A_290 = tpu.vector_load %arg7[%get3A_288, %get3A_289] {strides = array<i32>} : memref<32x128xi32, #tpu.memory_space<vmem>>, vector<16xi32>,
      %gather3A_291 = tpu.vector_load_idx %arg6[%get3A_290] : memref<100000xf32, #tpu.memory_space<vmem>>[vector<16xi32>], vector<16xf32>,
      %add3A_292 = arith.constant 0 : i32
      %add3A_293 = arith.addi %add3A_292, %scan3A_227 : i32
      %swap3A_294 = arith.index_cast %add3A_293 : i32 to index
      %swap3A_295 = arith.constant 112 : index
      %swap3A_296 = tpu.vector_load %arg9[%swap3A_294, %swap3A_295] {strides = array<i32>} : memref<128x128xf32, #tpu.memory_space<vmem>>, vector<16xf32>,
      tpu.vector_store %arg9[%swap3A_294, %swap3A_295], %gather3A_291 {strides = array<i32>} : memref<128x128xf32, #tpu.memory_space<vmem>>, vector<16xf32>,
      %scan3A_297 = arith.constant 1 : i32
      %scan3A_298 = arith.addi %scan3A_227, %scan3A_297 : i32
      %get3A_299 = arith.index_cast %scan3A_298 : i32 to index
      %get3A_300 = arith.constant 0 : index
      %get3A_301 = tpu.vector_load %arg7[%get3A_299, %get3A_300] {strides = array<i32>} : memref<32x128xi32, #tpu.memory_space<vmem>>, vector<16xi32>,
      %gather3A_302 = tpu.vector_load_idx %arg6[%get3A_301] : memref<100000xf32, #tpu.memory_space<vmem>>[vector<16xi32>], vector<16xf32>,
      %add3A_303 = arith.constant 0 : i32
      %add3A_304 = arith.addi %add3A_303, %scan3A_298 : i32
      %swap3A_305 = arith.index_cast %add3A_304 : i32 to index
      %swap3A_306 = arith.constant 0 : index
      %swap3A_307 = tpu.vector_load %arg9[%swap3A_305, %swap3A_306] {strides = array<i32>} : memref<128x128xf32, #tpu.memory_space<vmem>>, vector<16xf32>,
      tpu.vector_store %arg9[%swap3A_305, %swap3A_306], %gather3A_302 {strides = array<i32>} : memref<128x128xf32, #tpu.memory_space<vmem>>, vector<16xf32>,
      %get3A_308 = arith.index_cast %scan3A_298 : i32 to index
      %get3A_309 = arith.constant 16 : index
      %get3A_310 = tpu.vector_load %arg7[%get3A_308, %get3A_309] {strides = array<i32>} : memref<32x128xi32, #tpu.memory_space<vmem>>, vector<16xi32>,
      %gather3A_311 = tpu.vector_load_idx %arg6[%get3A_310] : memref<100000xf32, #tpu.memory_space<vmem>>[vector<16xi32>], vector<16xf32>,
      %add3A_312 = arith.constant 0 : i32
      %add3A_313 = arith.addi %add3A_312, %scan3A_298 : i32
      %swap3A_314 = arith.index_cast %add3A_313 : i32 to index
      %swap3A_315 = arith.constant 16 : index
      %swap3A_316 = tpu.vector_load %arg9[%swap3A_314, %swap3A_315] {strides = array<i32>} : memref<128x128xf32, #tpu.memory_space<vmem>>, vector<16xf32>,
      tpu.vector_store %arg9[%swap3A_314, %swap3A_315], %gather3A_311 {strides = array<i32>} : memref<128x128xf32, #tpu.memory_space<vmem>>, vector<16xf32>,
      %get3A_317 = arith.index_cast %scan3A_298 : i32 to index
      %get3A_318 = arith.constant 32 : index
      %get3A_319 = tpu.vector_load %arg7[%get3A_317, %get3A_318] {strides = array<i32>} : memref<32x128xi32, #tpu.memory_space<vmem>>, vector<16xi32>,
      %gather3A_320 = tpu.vector_load_idx %arg6[%get3A_319] : memref<100000xf32, #tpu.memory_space<vmem>>[vector<16xi32>], vector<16xf32>,
      %add3A_321 = arith.constant 0 : i32
      %add3A_322 = arith.addi %add3A_321, %scan3A_298 : i32
      %swap3A_323 = arith.index_cast %add3A_322 : i32 to index
      %swap3A_324 = arith.constant 32 : index
      %swap3A_325 = tpu.vector_load %arg9[%swap3A_323, %swap3A_324] {strides = array<i32>} : memref<128x128xf32, #tpu.memory_space<vmem>>, vector<16xf32>,
      tpu.vector_store %arg9[%swap3A_323, %swap3A_324], %gather3A_320 {strides = array<i32>} : memref<128x128xf32, #tpu.memory_space<vmem>>, vector<16xf32>,
      %get3A_326 = arith.index_cast %scan3A_298 : i32 to index
      %get3A_327 = arith.constant 48 : index
      %get3A_328 = tpu.vector_load %arg7[%get3A_326, %get3A_327] {strides = array<i32>} : memref<32x128xi32, #tpu.memory_space<vmem>>, vector<16xi32>,
      %gather3A_329 = tpu.vector_load_idx %arg6[%get3A_328] : memref<100000xf32, #tpu.memory_space<vmem>>[vector<16xi32>], vector<16xf32>,
      %add3A_330 = arith.constant 0 : i32
      %add3A_331 = arith.addi %add3A_330, %scan3A_298 : i32
      %swap3A_332 = arith.index_cast %add3A_331 : i32 to index
      %swap3A_333 = arith.constant 48 : index
      %swap3A_334 = tpu.vector_load %arg9[%swap3A_332, %swap3A_333] {strides = array<i32>} : memref<128x128xf32, #tpu.memory_space<vmem>>, vector<16xf32>,
      tpu.vector_store %arg9[%swap3A_332, %swap3A_333], %gather3A_329 {strides = array<i32>} : memref<128x128xf32, #tpu.memory_space<vmem>>, vector<16xf32>,
      %get3A_335 = arith.index_cast %scan3A_298 : i32 to index
      %get3A_336 = arith.constant 64 : index
      %get3A_337 = tpu.vector_load %arg7[%get3A_335, %get3A_336] {strides = array<i32>} : memref<32x128xi32, #tpu.memory_space<vmem>>, vector<16xi32>,
      %gather3A_338 = tpu.vector_load_idx %arg6[%get3A_337] : memref<100000xf32, #tpu.memory_space<vmem>>[vector<16xi32>], vector<16xf32>,
      %add3A_339 = arith.constant 0 : i32
      %add3A_340 = arith.addi %add3A_339, %scan3A_298 : i32
      %swap3A_341 = arith.index_cast %add3A_340 : i32 to index
      %swap3A_342 = arith.constant 64 : index
      %swap3A_343 = tpu.vector_load %arg9[%swap3A_341, %swap3A_342] {strides = array<i32>} : memref<128x128xf32, #tpu.memory_space<vmem>>, vector<16xf32>,
      tpu.vector_store %arg9[%swap3A_341, %swap3A_342], %gather3A_338 {strides = array<i32>} : memref<128x128xf32, #tpu.memory_space<vmem>>, vector<16xf32>,
      %get3A_344 = arith.index_cast %scan3A_298 : i32 to index
      %get3A_345 = arith.constant 80 : index
      %get3A_346 = tpu.vector_load %arg7[%get3A_344, %get3A_345] {strides = array<i32>} : memref<32x128xi32, #tpu.memory_space<vmem>>, vector<16xi32>,
      %gather3A_347 = tpu.vector_load_idx %arg6[%get3A_346] : memref<100000xf32, #tpu.memory_space<vmem>>[vector<16xi32>], vector<16xf32>,
      %add3A_348 = arith.constant 0 : i32
      %add3A_349 = arith.addi %add3A_348, %scan3A_298 : i32
      %swap3A_350 = arith.index_cast %add3A_349 : i32 to index
      %swap3A_351 = arith.constant 80 : index
      %swap3A_352 = tpu.vector_load %arg9[%swap3A_350, %swap3A_351] {strides = array<i32>} : memref<128x128xf32, #tpu.memory_space<vmem>>, vector<16xf32>,
      tpu.vector_store %arg9[%swap3A_350, %swap3A_351], %gather3A_347 {strides = array<i32>} : memref<128x128xf32, #tpu.memory_space<vmem>>, vector<16xf32>,
      %get3A_353 = arith.index_cast %scan3A_298 : i32 to index
      %get3A_354 = arith.constant 96 : index
      %get3A_355 = tpu.vector_load %arg7[%get3A_353, %get3A_354] {strides = array<i32>} : memref<32x128xi32, #tpu.memory_space<vmem>>, vector<16xi32>,
      %gather3A_356 = tpu.vector_load_idx %arg6[%get3A_355] : memref<100000xf32, #tpu.memory_space<vmem>>[vector<16xi32>], vector<16xf32>,
      %add3A_357 = arith.constant 0 : i32
      %add3A_358 = arith.addi %add3A_357, %scan3A_298 : i32
      %swap3A_359 = arith.index_cast %add3A_358 : i32 to index
      %swap3A_360 = arith.constant 96 : index
      %swap3A_361 = tpu.vector_load %arg9[%swap3A_359, %swap3A_360] {strides = array<i32>} : memref<128x128xf32, #tpu.memory_space<vmem>>, vector<16xf32>,
      tpu.vector_store %arg9[%swap3A_359, %swap3A_360], %gather3A_356 {strides = array<i32>} : memref<128x128xf32, #tpu.memory_space<vmem>>, vector<16xf32>,
      %get3A_362 = arith.index_cast %scan3A_298 : i32 to index
      %get3A_363 = arith.constant 112 : index
      %get3A_364 = tpu.vector_load %arg7[%get3A_362, %get3A_363] {strides = array<i32>} : memref<32x128xi32, #tpu.memory_space<vmem>>, vector<16xi32>,
      %gather3A_365 = tpu.vector_load_idx %arg6[%get3A_364] : memref<100000xf32, #tpu.memory_space<vmem>>[vector<16xi32>], vector<16xf32>,
      %add3A_366 = arith.constant 0 : i32
      %add3A_367 = arith.addi %add3A_366, %scan3A_298 : i32
      %swap3A_368 = arith.index_cast %add3A_367 : i32 to index
      %swap3A_369 = arith.constant 112 : index
      %swap3A_370 = tpu.vector_load %arg9[%swap3A_368, %swap3A_369] {strides = array<i32>} : memref<128x128xf32, #tpu.memory_space<vmem>>, vector<16xf32>,
      tpu.vector_store %arg9[%swap3A_368, %swap3A_369], %gather3A_365 {strides = array<i32>} : memref<128x128xf32, #tpu.memory_space<vmem>>, vector<16xf32>,
    }
    %scan3A_133 = arith.constant 32 : i32
    %dma_wait3A_134 = arith.constant 32 : i32
    %dma_wait3A_135 = arith.constant 0 : i32
    %dma_wait3A_136 = tpu.memref_slice %arg2[%dma_wait3A_134, %dma_wait3A_135] : memref<128x128xi32, #tpu.memory_space<hbm>> -> memref<32x128xi32, #tpu.memory_space<hbm>>
    %dma_wait3A_137 = arith.constant 32 : i32
    %dma_wait3A_138 = arith.constant 0 : i32
    %dma_wait3A_139 = tpu.memref_slice %arg2[%dma_wait3A_137, %dma_wait3A_138] : memref<128x128xi32, #tpu.memory_space<hbm>> -> memref<32x128xi32, #tpu.memory_space<hbm>>
    tpu.wait_dma2 semaphore(%arg11 : memref<!tpu.dma_semaphore, #tpu.memory_space<semaphore_mem>>) src(%dma_wait3A_139 : memref<32x128xi32, #tpu.memory_space<hbm>>) dst(%arg8 : memref<32x128xi32, #tpu.memory_space<vmem>>)
    %dma_start3A_140 = arith.constant 64 : i32
    %dma_start3A_141 = arith.constant 0 : i32
    %dma_start3A_142 = tpu.memref_slice %arg2[%dma_start3A_140, %dma_start3A_141] : memref<128x128xi32, #tpu.memory_space<hbm>> -> memref<32x128xi32, #tpu.memory_space<hbm>>
    %dma_start3A_143 = arith.constant 64 : i32
    %dma_start3A_144 = arith.constant 0 : i32
    %dma_start3A_145 = tpu.memref_slice %arg2[%dma_start3A_143, %dma_start3A_144] : memref<128x128xi32, #tpu.memory_space<hbm>> -> memref<32x128xi32, #tpu.memory_space<hbm>>
    tpu.enqueue_dma source(%dma_start3A_145 : memref<32x128xi32, #tpu.memory_space<hbm>>) target(%arg7 : memref<32x128xi32, #tpu.memory_space<vmem>>) target_semaphore(%arg11 : memref<!tpu.dma_semaphore, #tpu.memory_space<semaphore_mem>>)
    %scan3A_146 = arith.constant 0 : i32
    %scan3A_147 = arith.constant 0 : i32
    %scan3A_148 = arith.constant 32 : i32
    %scan3A_149 = arith.addi %scan3A_147, %scan3A_148 : i32
    %scan3A_150 = arith.constant 2 : i32
    scf.for %scan3A_227 = %scan3A_147 to %scan3A_149 step %scan3A_150  : i32 {
      %get3A = arith.index_cast %scan3A_227 : i32 to index
      %get3A_228 = arith.constant 0 : index
      %get3A_229 = tpu.vector_load %arg8[%get3A, %get3A_228] {strides = array<i32>} : memref<32x128xi32, #tpu.memory_space<vmem>>, vector<16xi32>,
      %gather3A = tpu.vector_load_idx %arg6[%get3A_229] : memref<100000xf32, #tpu.memory_space<vmem>>[vector<16xi32>], vector<16xf32>,
      %add3A_230 = arith.constant 32 : i32
      %add3A_231 = arith.addi %add3A_230, %scan3A_227 : i32
      %swap3A = arith.index_cast %add3A_231 : i32 to index
      %swap3A_232 = arith.constant 0 : index
      %swap3A_233 = tpu.vector_load %arg9[%swap3A, %swap3A_232] {strides = array<i32>} : memref<128x128xf32, #tpu.memory_space<vmem>>, vector<16xf32>,
      tpu.vector_store %arg9[%swap3A, %swap3A_232], %gather3A {strides = array<i32>} : memref<128x128xf32, #tpu.memory_space<vmem>>, vector<16xf32>,
      %get3A_234 = arith.index_cast %scan3A_227 : i32 to index
      %get3A_235 = arith.constant 16 : index
      %get3A_236 = tpu.vector_load %arg8[%get3A_234, %get3A_235] {strides = array<i32>} : memref<32x128xi32, #tpu.memory_space<vmem>>, vector<16xi32>,
      %gather3A_237 = tpu.vector_load_idx %arg6[%get3A_236] : memref<100000xf32, #tpu.memory_space<vmem>>[vector<16xi32>], vector<16xf32>,
      %add3A_238 = arith.constant 32 : i32
      %add3A_239 = arith.addi %add3A_238, %scan3A_227 : i32
      %swap3A_240 = arith.index_cast %add3A_239 : i32 to index
      %swap3A_241 = arith.constant 16 : index
      %swap3A_242 = tpu.vector_load %arg9[%swap3A_240, %swap3A_241] {strides = array<i32>} : memref<128x128xf32, #tpu.memory_space<vmem>>, vector<16xf32>,
      tpu.vector_store %arg9[%swap3A_240, %swap3A_241], %gather3A_237 {strides = array<i32>} : memref<128x128xf32, #tpu.memory_space<vmem>>, vector<16xf32>,
      %get3A_243 = arith.index_cast %scan3A_227 : i32 to index
      %get3A_244 = arith.constant 32 : index
      %get3A_245 = tpu.vector_load %arg8[%get3A_243, %get3A_244] {strides = array<i32>} : memref<32x128xi32, #tpu.memory_space<vmem>>, vector<16xi32>,
      %gather3A_246 = tpu.vector_load_idx %arg6[%get3A_245] : memref<100000xf32, #tpu.memory_space<vmem>>[vector<16xi32>], vector<16xf32>,
      %add3A_247 = arith.constant 32 : i32
      %add3A_248 = arith.addi %add3A_247, %scan3A_227 : i32
      %swap3A_249 = arith.index_cast %add3A_248 : i32 to index
      %swap3A_250 = arith.constant 32 : index
      %swap3A_251 = tpu.vector_load %arg9[%swap3A_249, %swap3A_250] {strides = array<i32>} : memref<128x128xf32, #tpu.memory_space<vmem>>, vector<16xf32>,
      tpu.vector_store %arg9[%swap3A_249, %swap3A_250], %gather3A_246 {strides = array<i32>} : memref<128x128xf32, #tpu.memory_space<vmem>>, vector<16xf32>,
      %get3A_252 = arith.index_cast %scan3A_227 : i32 to index
      %get3A_253 = arith.constant 48 : index
      %get3A_254 = tpu.vector_load %arg8[%get3A_252, %get3A_253] {strides = array<i32>} : memref<32x128xi32, #tpu.memory_space<vmem>>, vector<16xi32>,
      %gather3A_255 = tpu.vector_load_idx %arg6[%get3A_254] : memref<100000xf32, #tpu.memory_space<vmem>>[vector<16xi32>], vector<16xf32>,
      %add3A_256 = arith.constant 32 : i32
      %add3A_257 = arith.addi %add3A_256, %scan3A_227 : i32
      %swap3A_258 = arith.index_cast %add3A_257 : i32 to index
      %swap3A_259 = arith.constant 48 : index
      %swap3A_260 = tpu.vector_load %arg9[%swap3A_258, %swap3A_259] {strides = array<i32>} : memref<128x128xf32, #tpu.memory_space<vmem>>, vector<16xf32>,
      tpu.vector_store %arg9[%swap3A_258, %swap3A_259], %gather3A_255 {strides = array<i32>} : memref<128x128xf32, #tpu.memory_space<vmem>>, vector<16xf32>,
      %get3A_261 = arith.index_cast %scan3A_227 : i32 to index
      %get3A_262 = arith.constant 64 : index
      %get3A_263 = tpu.vector_load %arg8[%get3A_261, %get3A_262] {strides = array<i32>} : memref<32x128xi32, #tpu.memory_space<vmem>>, vector<16xi32>,
      %gather3A_264 = tpu.vector_load_idx %arg6[%get3A_263] : memref<100000xf32, #tpu.memory_space<vmem>>[vector<16xi32>], vector<16xf32>,
      %add3A_265 = arith.constant 32 : i32
      %add3A_266 = arith.addi %add3A_265, %scan3A_227 : i32
      %swap3A_267 = arith.index_cast %add3A_266 : i32 to index
      %swap3A_268 = arith.constant 64 : index
      %swap3A_269 = tpu.vector_load %arg9[%swap3A_267, %swap3A_268] {strides = array<i32>} : memref<128x128xf32, #tpu.memory_space<vmem>>, vector<16xf32>,
      tpu.vector_store %arg9[%swap3A_267, %swap3A_268], %gather3A_264 {strides = array<i32>} : memref<128x128xf32, #tpu.memory_space<vmem>>, vector<16xf32>,
      %get3A_270 = arith.index_cast %scan3A_227 : i32 to index
      %get3A_271 = arith.constant 80 : index
      %get3A_272 = tpu.vector_load %arg8[%get3A_270, %get3A_271] {strides = array<i32>} : memref<32x128xi32, #tpu.memory_space<vmem>>, vector<16xi32>,
      %gather3A_273 = tpu.vector_load_idx %arg6[%get3A_272] : memref<100000xf32, #tpu.memory_space<vmem>>[vector<16xi32>], vector<16xf32>,
      %add3A_274 = arith.constant 32 : i32
      %add3A_275 = arith.addi %add3A_274, %scan3A_227 : i32
      %swap3A_276 = arith.index_cast %add3A_275 : i32 to index
      %swap3A_277 = arith.constant 80 : index
      %swap3A_278 = tpu.vector_load %arg9[%swap3A_276, %swap3A_277] {strides = array<i32>} : memref<128x128xf32, #tpu.memory_space<vmem>>, vector<16xf32>,
      tpu.vector_store %arg9[%swap3A_276, %swap3A_277], %gather3A_273 {strides = array<i32>} : memref<128x128xf32, #tpu.memory_space<vmem>>, vector<16xf32>,
      %get3A_279 = arith.index_cast %scan3A_227 : i32 to index
      %get3A_280 = arith.constant 96 : index
      %get3A_281 = tpu.vector_load %arg8[%get3A_279, %get3A_280] {strides = array<i32>} : memref<32x128xi32, #tpu.memory_space<vmem>>, vector<16xi32>,
      %gather3A_282 = tpu.vector_load_idx %arg6[%get3A_281] : memref<100000xf32, #tpu.memory_space<vmem>>[vector<16xi32>], vector<16xf32>,
      %add3A_283 = arith.constant 32 : i32
      %add3A_284 = arith.addi %add3A_283, %scan3A_227 : i32
      %swap3A_285 = arith.index_cast %add3A_284 : i32 to index
      %swap3A_286 = arith.constant 96 : index
      %swap3A_287 = tpu.vector_load %arg9[%swap3A_285, %swap3A_286] {strides = array<i32>} : memref<128x128xf32, #tpu.memory_space<vmem>>, vector<16xf32>,
      tpu.vector_store %arg9[%swap3A_285, %swap3A_286], %gather3A_282 {strides = array<i32>} : memref<128x128xf32, #tpu.memory_space<vmem>>, vector<16xf32>,
      %get3A_288 = arith.index_cast %scan3A_227 : i32 to index
      %get3A_289 = arith.constant 112 : index
      %get3A_290 = tpu.vector_load %arg8[%get3A_288, %get3A_289] {strides = array<i32>} : memref<32x128xi32, #tpu.memory_space<vmem>>, vector<16xi32>,
      %gather3A_291 = tpu.vector_load_idx %arg6[%get3A_290] : memref<100000xf32, #tpu.memory_space<vmem>>[vector<16xi32>], vector<16xf32>,
      %add3A_292 = arith.constant 32 : i32
      %add3A_293 = arith.addi %add3A_292, %scan3A_227 : i32
      %swap3A_294 = arith.index_cast %add3A_293 : i32 to index
      %swap3A_295 = arith.constant 112 : index
      %swap3A_296 = tpu.vector_load %arg9[%swap3A_294, %swap3A_295] {strides = array<i32>} : memref<128x128xf32, #tpu.memory_space<vmem>>, vector<16xf32>,
      tpu.vector_store %arg9[%swap3A_294, %swap3A_295], %gather3A_291 {strides = array<i32>} : memref<128x128xf32, #tpu.memory_space<vmem>>, vector<16xf32>,
      %scan3A_297 = arith.constant 1 : i32
      %scan3A_298 = arith.addi %scan3A_227, %scan3A_297 : i32
      %get3A_299 = arith.index_cast %scan3A_298 : i32 to index
      %get3A_300 = arith.constant 0 : index
      %get3A_301 = tpu.vector_load %arg8[%get3A_299, %get3A_300] {strides = array<i32>} : memref<32x128xi32, #tpu.memory_space<vmem>>, vector<16xi32>,
      %gather3A_302 = tpu.vector_load_idx %arg6[%get3A_301] : memref<100000xf32, #tpu.memory_space<vmem>>[vector<16xi32>], vector<16xf32>,
      %add3A_303 = arith.constant 32 : i32
      %add3A_304 = arith.addi %add3A_303, %scan3A_298 : i32
      %swap3A_305 = arith.index_cast %add3A_304 : i32 to index
      %swap3A_306 = arith.constant 0 : index
      %swap3A_307 = tpu.vector_load %arg9[%swap3A_305, %swap3A_306] {strides = array<i32>} : memref<128x128xf32, #tpu.memory_space<vmem>>, vector<16xf32>,
      tpu.vector_store %arg9[%swap3A_305, %swap3A_306], %gather3A_302 {strides = array<i32>} : memref<128x128xf32, #tpu.memory_space<vmem>>, vector<16xf32>,
      %get3A_308 = arith.index_cast %scan3A_298 : i32 to index
      %get3A_309 = arith.constant 16 : index
      %get3A_310 = tpu.vector_load %arg8[%get3A_308, %get3A_309] {strides = array<i32>} : memref<32x128xi32, #tpu.memory_space<vmem>>, vector<16xi32>,
      %gather3A_311 = tpu.vector_load_idx %arg6[%get3A_310] : memref<100000xf32, #tpu.memory_space<vmem>>[vector<16xi32>], vector<16xf32>,
      %add3A_312 = arith.constant 32 : i32
      %add3A_313 = arith.addi %add3A_312, %scan3A_298 : i32
      %swap3A_314 = arith.index_cast %add3A_313 : i32 to index
      %swap3A_315 = arith.constant 16 : index
      %swap3A_316 = tpu.vector_load %arg9[%swap3A_314, %swap3A_315] {strides = array<i32>} : memref<128x128xf32, #tpu.memory_space<vmem>>, vector<16xf32>,
      tpu.vector_store %arg9[%swap3A_314, %swap3A_315], %gather3A_311 {strides = array<i32>} : memref<128x128xf32, #tpu.memory_space<vmem>>, vector<16xf32>,
      %get3A_317 = arith.index_cast %scan3A_298 : i32 to index
      %get3A_318 = arith.constant 32 : index
      %get3A_319 = tpu.vector_load %arg8[%get3A_317, %get3A_318] {strides = array<i32>} : memref<32x128xi32, #tpu.memory_space<vmem>>, vector<16xi32>,
      %gather3A_320 = tpu.vector_load_idx %arg6[%get3A_319] : memref<100000xf32, #tpu.memory_space<vmem>>[vector<16xi32>], vector<16xf32>,
      %add3A_321 = arith.constant 32 : i32
      %add3A_322 = arith.addi %add3A_321, %scan3A_298 : i32
      %swap3A_323 = arith.index_cast %add3A_322 : i32 to index
      %swap3A_324 = arith.constant 32 : index
      %swap3A_325 = tpu.vector_load %arg9[%swap3A_323, %swap3A_324] {strides = array<i32>} : memref<128x128xf32, #tpu.memory_space<vmem>>, vector<16xf32>,
      tpu.vector_store %arg9[%swap3A_323, %swap3A_324], %gather3A_320 {strides = array<i32>} : memref<128x128xf32, #tpu.memory_space<vmem>>, vector<16xf32>,
      %get3A_326 = arith.index_cast %scan3A_298 : i32 to index
      %get3A_327 = arith.constant 48 : index
      %get3A_328 = tpu.vector_load %arg8[%get3A_326, %get3A_327] {strides = array<i32>} : memref<32x128xi32, #tpu.memory_space<vmem>>, vector<16xi32>,
      %gather3A_329 = tpu.vector_load_idx %arg6[%get3A_328] : memref<100000xf32, #tpu.memory_space<vmem>>[vector<16xi32>], vector<16xf32>,
      %add3A_330 = arith.constant 32 : i32
      %add3A_331 = arith.addi %add3A_330, %scan3A_298 : i32
      %swap3A_332 = arith.index_cast %add3A_331 : i32 to index
      %swap3A_333 = arith.constant 48 : index
      %swap3A_334 = tpu.vector_load %arg9[%swap3A_332, %swap3A_333] {strides = array<i32>} : memref<128x128xf32, #tpu.memory_space<vmem>>, vector<16xf32>,
      tpu.vector_store %arg9[%swap3A_332, %swap3A_333], %gather3A_329 {strides = array<i32>} : memref<128x128xf32, #tpu.memory_space<vmem>>, vector<16xf32>,
      %get3A_335 = arith.index_cast %scan3A_298 : i32 to index
      %get3A_336 = arith.constant 64 : index
      %get3A_337 = tpu.vector_load %arg8[%get3A_335, %get3A_336] {strides = array<i32>} : memref<32x128xi32, #tpu.memory_space<vmem>>, vector<16xi32>,
      %gather3A_338 = tpu.vector_load_idx %arg6[%get3A_337] : memref<100000xf32, #tpu.memory_space<vmem>>[vector<16xi32>], vector<16xf32>,
      %add3A_339 = arith.constant 32 : i32
      %add3A_340 = arith.addi %add3A_339, %scan3A_298 : i32
      %swap3A_341 = arith.index_cast %add3A_340 : i32 to index
      %swap3A_342 = arith.constant 64 : index
      %swap3A_343 = tpu.vector_load %arg9[%swap3A_341, %swap3A_342] {strides = array<i32>} : memref<128x128xf32, #tpu.memory_space<vmem>>, vector<16xf32>,
      tpu.vector_store %arg9[%swap3A_341, %swap3A_342], %gather3A_338 {strides = array<i32>} : memref<128x128xf32, #tpu.memory_space<vmem>>, vector<16xf32>,
      %get3A_344 = arith.index_cast %scan3A_298 : i32 to index
      %get3A_345 = arith.constant 80 : index
      %get3A_346 = tpu.vector_load %arg8[%get3A_344, %get3A_345] {strides = array<i32>} : memref<32x128xi32, #tpu.memory_space<vmem>>, vector<16xi32>,
      %gather3A_347 = tpu.vector_load_idx %arg6[%get3A_346] : memref<100000xf32, #tpu.memory_space<vmem>>[vector<16xi32>], vector<16xf32>,
      %add3A_348 = arith.constant 32 : i32
      %add3A_349 = arith.addi %add3A_348, %scan3A_298 : i32
      %swap3A_350 = arith.index_cast %add3A_349 : i32 to index
      %swap3A_351 = arith.constant 80 : index
      %swap3A_352 = tpu.vector_load %arg9[%swap3A_350, %swap3A_351] {strides = array<i32>} : memref<128x128xf32, #tpu.memory_space<vmem>>, vector<16xf32>,
      tpu.vector_store %arg9[%swap3A_350, %swap3A_351], %gather3A_347 {strides = array<i32>} : memref<128x128xf32, #tpu.memory_space<vmem>>, vector<16xf32>,
      %get3A_353 = arith.index_cast %scan3A_298 : i32 to index
      %get3A_354 = arith.constant 96 : index
      %get3A_355 = tpu.vector_load %arg8[%get3A_353, %get3A_354] {strides = array<i32>} : memref<32x128xi32, #tpu.memory_space<vmem>>, vector<16xi32>,
      %gather3A_356 = tpu.vector_load_idx %arg6[%get3A_355] : memref<100000xf32, #tpu.memory_space<vmem>>[vector<16xi32>], vector<16xf32>,
      %add3A_357 = arith.constant 32 : i32
      %add3A_358 = arith.addi %add3A_357, %scan3A_298 : i32
      %swap3A_359 = arith.index_cast %add3A_358 : i32 to index
      %swap3A_360 = arith.constant 96 : index
      %swap3A_361 = tpu.vector_load %arg9[%swap3A_359, %swap3A_360] {strides = array<i32>} : memref<128x128xf32, #tpu.memory_space<vmem>>, vector<16xf32>,
      tpu.vector_store %arg9[%swap3A_359, %swap3A_360], %gather3A_356 {strides = array<i32>} : memref<128x128xf32, #tpu.memory_space<vmem>>, vector<16xf32>,
      %get3A_362 = arith.index_cast %scan3A_298 : i32 to index
      %get3A_363 = arith.constant 112 : index
      %get3A_364 = tpu.vector_load %arg8[%get3A_362, %get3A_363] {strides = array<i32>} : memref<32x128xi32, #tpu.memory_space<vmem>>, vector<16xi32>,
      %gather3A_365 = tpu.vector_load_idx %arg6[%get3A_364] : memref<100000xf32, #tpu.memory_space<vmem>>[vector<16xi32>], vector<16xf32>,
      %add3A_366 = arith.constant 32 : i32
      %add3A_367 = arith.addi %add3A_366, %scan3A_298 : i32
      %swap3A_368 = arith.index_cast %add3A_367 : i32 to index
      %swap3A_369 = arith.constant 112 : index
      %swap3A_370 = tpu.vector_load %arg9[%swap3A_368, %swap3A_369] {strides = array<i32>} : memref<128x128xf32, #tpu.memory_space<vmem>>, vector<16xf32>,
      tpu.vector_store %arg9[%swap3A_368, %swap3A_369], %gather3A_365 {strides = array<i32>} : memref<128x128xf32, #tpu.memory_space<vmem>>, vector<16xf32>,
    }
    %scan3A_151 = arith.constant 32 : i32
    %dma_wait3A_152 = arith.constant 64 : i32
    %dma_wait3A_153 = arith.constant 0 : i32
    %dma_wait3A_154 = tpu.memref_slice %arg2[%dma_wait3A_152, %dma_wait3A_153] : memref<128x128xi32, #tpu.memory_space<hbm>> -> memref<32x128xi32, #tpu.memory_space<hbm>>
    %dma_wait3A_155 = arith.constant 64 : i32
    %dma_wait3A_156 = arith.constant 0 : i32
    %dma_wait3A_157 = tpu.memref_slice %arg2[%dma_wait3A_155, %dma_wait3A_156] : memref<128x128xi32, #tpu.memory_space<hbm>> -> memref<32x128xi32, #tpu.memory_space<hbm>>
    tpu.wait_dma2 semaphore(%arg11 : memref<!tpu.dma_semaphore, #tpu.memory_space<semaphore_mem>>) src(%dma_wait3A_157 : memref<32x128xi32, #tpu.memory_space<hbm>>) dst(%arg7 : memref<32x128xi32, #tpu.memory_space<vmem>>)
    %dma_start3A_158 = arith.constant 96 : i32
    %dma_start3A_159 = arith.constant 0 : i32
    %dma_start3A_160 = tpu.memref_slice %arg2[%dma_start3A_158, %dma_start3A_159] : memref<128x128xi32, #tpu.memory_space<hbm>> -> memref<32x128xi32, #tpu.memory_space<hbm>>
    %dma_start3A_161 = arith.constant 96 : i32
    %dma_start3A_162 = arith.constant 0 : i32
    %dma_start3A_163 = tpu.memref_slice %arg2[%dma_start3A_161, %dma_start3A_162] : memref<128x128xi32, #tpu.memory_space<hbm>> -> memref<32x128xi32, #tpu.memory_space<hbm>>
    tpu.enqueue_dma source(%dma_start3A_163 : memref<32x128xi32, #tpu.memory_space<hbm>>) target(%arg8 : memref<32x128xi32, #tpu.memory_space<vmem>>) target_semaphore(%arg11 : memref<!tpu.dma_semaphore, #tpu.memory_space<semaphore_mem>>)
    %scan3A_164 = arith.constant 0 : i32
    %scan3A_165 = arith.constant 0 : i32
    %scan3A_166 = arith.constant 32 : i32
    %scan3A_167 = arith.addi %scan3A_165, %scan3A_166 : i32
    %scan3A_168 = arith.constant 2 : i32
    scf.for %scan3A_227 = %scan3A_165 to %scan3A_167 step %scan3A_168  : i32 {
      %get3A = arith.index_cast %scan3A_227 : i32 to index
      %get3A_228 = arith.constant 0 : index
      %get3A_229 = tpu.vector_load %arg7[%get3A, %get3A_228] {strides = array<i32>} : memref<32x128xi32, #tpu.memory_space<vmem>>, vector<16xi32>,
      %gather3A = tpu.vector_load_idx %arg6[%get3A_229] : memref<100000xf32, #tpu.memory_space<vmem>>[vector<16xi32>], vector<16xf32>,
      %add3A_230 = arith.constant 64 : i32
      %add3A_231 = arith.addi %add3A_230, %scan3A_227 : i32
      %swap3A = arith.index_cast %add3A_231 : i32 to index
      %swap3A_232 = arith.constant 0 : index
      %swap3A_233 = tpu.vector_load %arg9[%swap3A, %swap3A_232] {strides = array<i32>} : memref<128x128xf32, #tpu.memory_space<vmem>>, vector<16xf32>,
      tpu.vector_store %arg9[%swap3A, %swap3A_232], %gather3A {strides = array<i32>} : memref<128x128xf32, #tpu.memory_space<vmem>>, vector<16xf32>,
      %get3A_234 = arith.index_cast %scan3A_227 : i32 to index
      %get3A_235 = arith.constant 16 : index
      %get3A_236 = tpu.vector_load %arg7[%get3A_234, %get3A_235] {strides = array<i32>} : memref<32x128xi32, #tpu.memory_space<vmem>>, vector<16xi32>,
      %gather3A_237 = tpu.vector_load_idx %arg6[%get3A_236] : memref<100000xf32, #tpu.memory_space<vmem>>[vector<16xi32>], vector<16xf32>,
      %add3A_238 = arith.constant 64 : i32
      %add3A_239 = arith.addi %add3A_238, %scan3A_227 : i32
      %swap3A_240 = arith.index_cast %add3A_239 : i32 to index
      %swap3A_241 = arith.constant 16 : index
      %swap3A_242 = tpu.vector_load %arg9[%swap3A_240, %swap3A_241] {strides = array<i32>} : memref<128x128xf32, #tpu.memory_space<vmem>>, vector<16xf32>,
      tpu.vector_store %arg9[%swap3A_240, %swap3A_241], %gather3A_237 {strides = array<i32>} : memref<128x128xf32, #tpu.memory_space<vmem>>, vector<16xf32>,
      %get3A_243 = arith.index_cast %scan3A_227 : i32 to index
      %get3A_244 = arith.constant 32 : index
      %get3A_245 = tpu.vector_load %arg7[%get3A_243, %get3A_244] {strides = array<i32>} : memref<32x128xi32, #tpu.memory_space<vmem>>, vector<16xi32>,
      %gather3A_246 = tpu.vector_load_idx %arg6[%get3A_245] : memref<100000xf32, #tpu.memory_space<vmem>>[vector<16xi32>], vector<16xf32>,
      %add3A_247 = arith.constant 64 : i32
      %add3A_248 = arith.addi %add3A_247, %scan3A_227 : i32
      %swap3A_249 = arith.index_cast %add3A_248 : i32 to index
      %swap3A_250 = arith.constant 32 : index
      %swap3A_251 = tpu.vector_load %arg9[%swap3A_249, %swap3A_250] {strides = array<i32>} : memref<128x128xf32, #tpu.memory_space<vmem>>, vector<16xf32>,
      tpu.vector_store %arg9[%swap3A_249, %swap3A_250], %gather3A_246 {strides = array<i32>} : memref<128x128xf32, #tpu.memory_space<vmem>>, vector<16xf32>,
      %get3A_252 = arith.index_cast %scan3A_227 : i32 to index
      %get3A_253 = arith.constant 48 : index
      %get3A_254 = tpu.vector_load %arg7[%get3A_252, %get3A_253] {strides = array<i32>} : memref<32x128xi32, #tpu.memory_space<vmem>>, vector<16xi32>,
      %gather3A_255 = tpu.vector_load_idx %arg6[%get3A_254] : memref<100000xf32, #tpu.memory_space<vmem>>[vector<16xi32>], vector<16xf32>,
      %add3A_256 = arith.constant 64 : i32
      %add3A_257 = arith.addi %add3A_256, %scan3A_227 : i32
      %swap3A_258 = arith.index_cast %add3A_257 : i32 to index
      %swap3A_259 = arith.constant 48 : index
      %swap3A_260 = tpu.vector_load %arg9[%swap3A_258, %swap3A_259] {strides = array<i32>} : memref<128x128xf32, #tpu.memory_space<vmem>>, vector<16xf32>,
      tpu.vector_store %arg9[%swap3A_258, %swap3A_259], %gather3A_255 {strides = array<i32>} : memref<128x128xf32, #tpu.memory_space<vmem>>, vector<16xf32>,
      %get3A_261 = arith.index_cast %scan3A_227 : i32 to index
      %get3A_262 = arith.constant 64 : index
      %get3A_263 = tpu.vector_load %arg7[%get3A_261, %get3A_262] {strides = array<i32>} : memref<32x128xi32, #tpu.memory_space<vmem>>, vector<16xi32>,
      %gather3A_264 = tpu.vector_load_idx %arg6[%get3A_263] : memref<100000xf32, #tpu.memory_space<vmem>>[vector<16xi32>], vector<16xf32>,
      %add3A_265 = arith.constant 64 : i32
      %add3A_266 = arith.addi %add3A_265, %scan3A_227 : i32
      %swap3A_267 = arith.index_cast %add3A_266 : i32 to index
      %swap3A_268 = arith.constant 64 : index
      %swap3A_269 = tpu.vector_load %arg9[%swap3A_267, %swap3A_268] {strides = array<i32>} : memref<128x128xf32, #tpu.memory_space<vmem>>, vector<16xf32>,
      tpu.vector_store %arg9[%swap3A_267, %swap3A_268], %gather3A_264 {strides = array<i32>} : memref<128x128xf32, #tpu.memory_space<vmem>>, vector<16xf32>,
      %get3A_270 = arith.index_cast %scan3A_227 : i32 to index
      %get3A_271 = arith.constant 80 : index
      %get3A_272 = tpu.vector_load %arg7[%get3A_270, %get3A_271] {strides = array<i32>} : memref<32x128xi32, #tpu.memory_space<vmem>>, vector<16xi32>,
      %gather3A_273 = tpu.vector_load_idx %arg6[%get3A_272] : memref<100000xf32, #tpu.memory_space<vmem>>[vector<16xi32>], vector<16xf32>,
      %add3A_274 = arith.constant 64 : i32
      %add3A_275 = arith.addi %add3A_274, %scan3A_227 : i32
      %swap3A_276 = arith.index_cast %add3A_275 : i32 to index
      %swap3A_277 = arith.constant 80 : index
      %swap3A_278 = tpu.vector_load %arg9[%swap3A_276, %swap3A_277] {strides = array<i32>} : memref<128x128xf32, #tpu.memory_space<vmem>>, vector<16xf32>,
      tpu.vector_store %arg9[%swap3A_276, %swap3A_277], %gather3A_273 {strides = array<i32>} : memref<128x128xf32, #tpu.memory_space<vmem>>, vector<16xf32>,
      %get3A_279 = arith.index_cast %scan3A_227 : i32 to index
      %get3A_280 = arith.constant 96 : index
      %get3A_281 = tpu.vector_load %arg7[%get3A_279, %get3A_280] {strides = array<i32>} : memref<32x128xi32, #tpu.memory_space<vmem>>, vector<16xi32>,
      %gather3A_282 = tpu.vector_load_idx %arg6[%get3A_281] : memref<100000xf32, #tpu.memory_space<vmem>>[vector<16xi32>], vector<16xf32>,
      %add3A_283 = arith.constant 64 : i32
      %add3A_284 = arith.addi %add3A_283, %scan3A_227 : i32
      %swap3A_285 = arith.index_cast %add3A_284 : i32 to index
      %swap3A_286 = arith.constant 96 : index
      %swap3A_287 = tpu.vector_load %arg9[%swap3A_285, %swap3A_286] {strides = array<i32>} : memref<128x128xf32, #tpu.memory_space<vmem>>, vector<16xf32>,
      tpu.vector_store %arg9[%swap3A_285, %swap3A_286], %gather3A_282 {strides = array<i32>} : memref<128x128xf32, #tpu.memory_space<vmem>>, vector<16xf32>,
      %get3A_288 = arith.index_cast %scan3A_227 : i32 to index
      %get3A_289 = arith.constant 112 : index
      %get3A_290 = tpu.vector_load %arg7[%get3A_288, %get3A_289] {strides = array<i32>} : memref<32x128xi32, #tpu.memory_space<vmem>>, vector<16xi32>,
      %gather3A_291 = tpu.vector_load_idx %arg6[%get3A_290] : memref<100000xf32, #tpu.memory_space<vmem>>[vector<16xi32>], vector<16xf32>,
      %add3A_292 = arith.constant 64 : i32
      %add3A_293 = arith.addi %add3A_292, %scan3A_227 : i32
      %swap3A_294 = arith.index_cast %add3A_293 : i32 to index
      %swap3A_295 = arith.constant 112 : index
      %swap3A_296 = tpu.vector_load %arg9[%swap3A_294, %swap3A_295] {strides = array<i32>} : memref<128x128xf32, #tpu.memory_space<vmem>>, vector<16xf32>,
      tpu.vector_store %arg9[%swap3A_294, %swap3A_295], %gather3A_291 {strides = array<i32>} : memref<128x128xf32, #tpu.memory_space<vmem>>, vector<16xf32>,
      %scan3A_297 = arith.constant 1 : i32
      %scan3A_298 = arith.addi %scan3A_227, %scan3A_297 : i32
      %get3A_299 = arith.index_cast %scan3A_298 : i32 to index
      %get3A_300 = arith.constant 0 : index
      %get3A_301 = tpu.vector_load %arg7[%get3A_299, %get3A_300] {strides = array<i32>} : memref<32x128xi32, #tpu.memory_space<vmem>>, vector<16xi32>,
      %gather3A_302 = tpu.vector_load_idx %arg6[%get3A_301] : memref<100000xf32, #tpu.memory_space<vmem>>[vector<16xi32>], vector<16xf32>,
      %add3A_303 = arith.constant 64 : i32
      %add3A_304 = arith.addi %add3A_303, %scan3A_298 : i32
      %swap3A_305 = arith.index_cast %add3A_304 : i32 to index
      %swap3A_306 = arith.constant 0 : index
      %swap3A_307 = tpu.vector_load %arg9[%swap3A_305, %swap3A_306] {strides = array<i32>} : memref<128x128xf32, #tpu.memory_space<vmem>>, vector<16xf32>,
      tpu.vector_store %arg9[%swap3A_305, %swap3A_306], %gather3A_302 {strides = array<i32>} : memref<128x128xf32, #tpu.memory_space<vmem>>, vector<16xf32>,
      %get3A_308 = arith.index_cast %scan3A_298 : i32 to index
      %get3A_309 = arith.constant 16 : index
      %get3A_310 = tpu.vector_load %arg7[%get3A_308, %get3A_309] {strides = array<i32>} : memref<32x128xi32, #tpu.memory_space<vmem>>, vector<16xi32>,
      %gather3A_311 = tpu.vector_load_idx %arg6[%get3A_310] : memref<100000xf32, #tpu.memory_space<vmem>>[vector<16xi32>], vector<16xf32>,
      %add3A_312 = arith.constant 64 : i32
      %add3A_313 = arith.addi %add3A_312, %scan3A_298 : i32
      %swap3A_314 = arith.index_cast %add3A_313 : i32 to index
      %swap3A_315 = arith.constant 16 : index
      %swap3A_316 = tpu.vector_load %arg9[%swap3A_314, %swap3A_315] {strides = array<i32>} : memref<128x128xf32, #tpu.memory_space<vmem>>, vector<16xf32>,
      tpu.vector_store %arg9[%swap3A_314, %swap3A_315], %gather3A_311 {strides = array<i32>} : memref<128x128xf32, #tpu.memory_space<vmem>>, vector<16xf32>,
      %get3A_317 = arith.index_cast %scan3A_298 : i32 to index
      %get3A_318 = arith.constant 32 : index
      %get3A_319 = tpu.vector_load %arg7[%get3A_317, %get3A_318] {strides = array<i32>} : memref<32x128xi32, #tpu.memory_space<vmem>>, vector<16xi32>,
      %gather3A_320 = tpu.vector_load_idx %arg6[%get3A_319] : memref<100000xf32, #tpu.memory_space<vmem>>[vector<16xi32>], vector<16xf32>,
      %add3A_321 = arith.constant 64 : i32
      %add3A_322 = arith.addi %add3A_321, %scan3A_298 : i32
      %swap3A_323 = arith.index_cast %add3A_322 : i32 to index
      %swap3A_324 = arith.constant 32 : index
      %swap3A_325 = tpu.vector_load %arg9[%swap3A_323, %swap3A_324] {strides = array<i32>} : memref<128x128xf32, #tpu.memory_space<vmem>>, vector<16xf32>,
      tpu.vector_store %arg9[%swap3A_323, %swap3A_324], %gather3A_320 {strides = array<i32>} : memref<128x128xf32, #tpu.memory_space<vmem>>, vector<16xf32>,
      %get3A_326 = arith.index_cast %scan3A_298 : i32 to index
      %get3A_327 = arith.constant 48 : index
      %get3A_328 = tpu.vector_load %arg7[%get3A_326, %get3A_327] {strides = array<i32>} : memref<32x128xi32, #tpu.memory_space<vmem>>, vector<16xi32>,
      %gather3A_329 = tpu.vector_load_idx %arg6[%get3A_328] : memref<100000xf32, #tpu.memory_space<vmem>>[vector<16xi32>], vector<16xf32>,
      %add3A_330 = arith.constant 64 : i32
      %add3A_331 = arith.addi %add3A_330, %scan3A_298 : i32
      %swap3A_332 = arith.index_cast %add3A_331 : i32 to index
      %swap3A_333 = arith.constant 48 : index
      %swap3A_334 = tpu.vector_load %arg9[%swap3A_332, %swap3A_333] {strides = array<i32>} : memref<128x128xf32, #tpu.memory_space<vmem>>, vector<16xf32>,
      tpu.vector_store %arg9[%swap3A_332, %swap3A_333], %gather3A_329 {strides = array<i32>} : memref<128x128xf32, #tpu.memory_space<vmem>>, vector<16xf32>,
      %get3A_335 = arith.index_cast %scan3A_298 : i32 to index
      %get3A_336 = arith.constant 64 : index
      %get3A_337 = tpu.vector_load %arg7[%get3A_335, %get3A_336] {strides = array<i32>} : memref<32x128xi32, #tpu.memory_space<vmem>>, vector<16xi32>,
      %gather3A_338 = tpu.vector_load_idx %arg6[%get3A_337] : memref<100000xf32, #tpu.memory_space<vmem>>[vector<16xi32>], vector<16xf32>,
      %add3A_339 = arith.constant 64 : i32
      %add3A_340 = arith.addi %add3A_339, %scan3A_298 : i32
      %swap3A_341 = arith.index_cast %add3A_340 : i32 to index
      %swap3A_342 = arith.constant 64 : index
      %swap3A_343 = tpu.vector_load %arg9[%swap3A_341, %swap3A_342] {strides = array<i32>} : memref<128x128xf32, #tpu.memory_space<vmem>>, vector<16xf32>,
      tpu.vector_store %arg9[%swap3A_341, %swap3A_342], %gather3A_338 {strides = array<i32>} : memref<128x128xf32, #tpu.memory_space<vmem>>, vector<16xf32>,
      %get3A_344 = arith.index_cast %scan3A_298 : i32 to index
      %get3A_345 = arith.constant 80 : index
      %get3A_346 = tpu.vector_load %arg7[%get3A_344, %get3A_345] {strides = array<i32>} : memref<32x128xi32, #tpu.memory_space<vmem>>, vector<16xi32>,
      %gather3A_347 = tpu.vector_load_idx %arg6[%get3A_346] : memref<100000xf32, #tpu.memory_space<vmem>>[vector<16xi32>], vector<16xf32>,
      %add3A_348 = arith.constant 64 : i32
      %add3A_349 = arith.addi %add3A_348, %scan3A_298 : i32
      %swap3A_350 = arith.index_cast %add3A_349 : i32 to index
      %swap3A_351 = arith.constant 80 : index
      %swap3A_352 = tpu.vector_load %arg9[%swap3A_350, %swap3A_351] {strides = array<i32>} : memref<128x128xf32, #tpu.memory_space<vmem>>, vector<16xf32>,
      tpu.vector_store %arg9[%swap3A_350, %swap3A_351], %gather3A_347 {strides = array<i32>} : memref<128x128xf32, #tpu.memory_space<vmem>>, vector<16xf32>,
      %get3A_353 = arith.index_cast %scan3A_298 : i32 to index
      %get3A_354 = arith.constant 96 : index
      %get3A_355 = tpu.vector_load %arg7[%get3A_353, %get3A_354] {strides = array<i32>} : memref<32x128xi32, #tpu.memory_space<vmem>>, vector<16xi32>,
      %gather3A_356 = tpu.vector_load_idx %arg6[%get3A_355] : memref<100000xf32, #tpu.memory_space<vmem>>[vector<16xi32>], vector<16xf32>,
      %add3A_357 = arith.constant 64 : i32
      %add3A_358 = arith.addi %add3A_357, %scan3A_298 : i32
      %swap3A_359 = arith.index_cast %add3A_358 : i32 to index
      %swap3A_360 = arith.constant 96 : index
      %swap3A_361 = tpu.vector_load %arg9[%swap3A_359, %swap3A_360] {strides = array<i32>} : memref<128x128xf32, #tpu.memory_space<vmem>>, vector<16xf32>,
      tpu.vector_store %arg9[%swap3A_359, %swap3A_360], %gather3A_356 {strides = array<i32>} : memref<128x128xf32, #tpu.memory_space<vmem>>, vector<16xf32>,
      %get3A_362 = arith.index_cast %scan3A_298 : i32 to index
      %get3A_363 = arith.constant 112 : index
      %get3A_364 = tpu.vector_load %arg7[%get3A_362, %get3A_363] {strides = array<i32>} : memref<32x128xi32, #tpu.memory_space<vmem>>, vector<16xi32>,
      %gather3A_365 = tpu.vector_load_idx %arg6[%get3A_364] : memref<100000xf32, #tpu.memory_space<vmem>>[vector<16xi32>], vector<16xf32>,
      %add3A_366 = arith.constant 64 : i32
      %add3A_367 = arith.addi %add3A_366, %scan3A_298 : i32
      %swap3A_368 = arith.index_cast %add3A_367 : i32 to index
      %swap3A_369 = arith.constant 112 : index
      %swap3A_370 = tpu.vector_load %arg9[%swap3A_368, %swap3A_369] {strides = array<i32>} : memref<128x128xf32, #tpu.memory_space<vmem>>, vector<16xf32>,
      tpu.vector_store %arg9[%swap3A_368, %swap3A_369], %gather3A_365 {strides = array<i32>} : memref<128x128xf32, #tpu.memory_space<vmem>>, vector<16xf32>,
    }
    %scan3A_169 = arith.constant 32 : i32
    %dma_wait3A_170 = arith.constant 96 : i32
    %dma_wait3A_171 = arith.constant 0 : i32
    %dma_wait3A_172 = tpu.memref_slice %arg2[%dma_wait3A_170, %dma_wait3A_171] : memref<128x128xi32, #tpu.memory_space<hbm>> -> memref<32x128xi32, #tpu.memory_space<hbm>>
    %dma_wait3A_173 = arith.constant 96 : i32
    %dma_wait3A_174 = arith.constant 0 : i32
    %dma_wait3A_175 = tpu.memref_slice %arg2[%dma_wait3A_173, %dma_wait3A_174] : memref<128x128xi32, #tpu.memory_space<hbm>> -> memref<32x128xi32, #tpu.memory_space<hbm>>
    tpu.wait_dma2 semaphore(%arg11 : memref<!tpu.dma_semaphore, #tpu.memory_space<semaphore_mem>>) src(%dma_wait3A_175 : memref<32x128xi32, #tpu.memory_space<hbm>>) dst(%arg8 : memref<32x128xi32, #tpu.memory_space<vmem>>)
    %scan3A_176 = arith.constant 0 : i32
    %scan3A_177 = arith.constant 0 : i32
    %scan3A_178 = arith.constant 32 : i32
    %scan3A_179 = arith.addi %scan3A_177, %scan3A_178 : i32
    %scan3A_180 = arith.constant 2 : i32
    scf.for %scan3A_227 = %scan3A_177 to %scan3A_179 step %scan3A_180  : i32 {
      %get3A = arith.index_cast %scan3A_227 : i32 to index
      %get3A_228 = arith.constant 0 : index
      %get3A_229 = tpu.vector_load %arg8[%get3A, %get3A_228] {strides = array<i32>} : memref<32x128xi32, #tpu.memory_space<vmem>>, vector<16xi32>,
      %gather3A = tpu.vector_load_idx %arg6[%get3A_229] : memref<100000xf32, #tpu.memory_space<vmem>>[vector<16xi32>], vector<16xf32>,
      %add3A_230 = arith.constant 96 : i32
      %add3A_231 = arith.addi %add3A_230, %scan3A_227 : i32
      %swap3A = arith.index_cast %add3A_231 : i32 to index
      %swap3A_232 = arith.constant 0 : index
      %swap3A_233 = tpu.vector_load %arg9[%swap3A, %swap3A_232] {strides = array<i32>} : memref<128x128xf32, #tpu.memory_space<vmem>>, vector<16xf32>,
      tpu.vector_store %arg9[%swap3A, %swap3A_232], %gather3A {strides = array<i32>} : memref<128x128xf32, #tpu.memory_space<vmem>>, vector<16xf32>,
      %get3A_234 = arith.index_cast %scan3A_227 : i32 to index
      %get3A_235 = arith.constant 16 : index
      %get3A_236 = tpu.vector_load %arg8[%get3A_234, %get3A_235] {strides = array<i32>} : memref<32x128xi32, #tpu.memory_space<vmem>>, vector<16xi32>,
      %gather3A_237 = tpu.vector_load_idx %arg6[%get3A_236] : memref<100000xf32, #tpu.memory_space<vmem>>[vector<16xi32>], vector<16xf32>,
      %add3A_238 = arith.constant 96 : i32
      %add3A_239 = arith.addi %add3A_238, %scan3A_227 : i32
      %swap3A_240 = arith.index_cast %add3A_239 : i32 to index
      %swap3A_241 = arith.constant 16 : index
      %swap3A_242 = tpu.vector_load %arg9[%swap3A_240, %swap3A_241] {strides = array<i32>} : memref<128x128xf32, #tpu.memory_space<vmem>>, vector<16xf32>,
      tpu.vector_store %arg9[%swap3A_240, %swap3A_241], %gather3A_237 {strides = array<i32>} : memref<128x128xf32, #tpu.memory_space<vmem>>, vector<16xf32>,
      %get3A_243 = arith.index_cast %scan3A_227 : i32 to index
      %get3A_244 = arith.constant 32 : index
      %get3A_245 = tpu.vector_load %arg8[%get3A_243, %get3A_244] {strides = array<i32>} : memref<32x128xi32, #tpu.memory_space<vmem>>, vector<16xi32>,
      %gather3A_246 = tpu.vector_load_idx %arg6[%get3A_245] : memref<100000xf32, #tpu.memory_space<vmem>>[vector<16xi32>], vector<16xf32>,
      %add3A_247 = arith.constant 96 : i32
      %add3A_248 = arith.addi %add3A_247, %scan3A_227 : i32
      %swap3A_249 = arith.index_cast %add3A_248 : i32 to index
      %swap3A_250 = arith.constant 32 : index
      %swap3A_251 = tpu.vector_load %arg9[%swap3A_249, %swap3A_250] {strides = array<i32>} : memref<128x128xf32, #tpu.memory_space<vmem>>, vector<16xf32>,
      tpu.vector_store %arg9[%swap3A_249, %swap3A_250], %gather3A_246 {strides = array<i32>} : memref<128x128xf32, #tpu.memory_space<vmem>>, vector<16xf32>,
      %get3A_252 = arith.index_cast %scan3A_227 : i32 to index
      %get3A_253 = arith.constant 48 : index
      %get3A_254 = tpu.vector_load %arg8[%get3A_252, %get3A_253] {strides = array<i32>} : memref<32x128xi32, #tpu.memory_space<vmem>>, vector<16xi32>,
      %gather3A_255 = tpu.vector_load_idx %arg6[%get3A_254] : memref<100000xf32, #tpu.memory_space<vmem>>[vector<16xi32>], vector<16xf32>,
      %add3A_256 = arith.constant 96 : i32
      %add3A_257 = arith.addi %add3A_256, %scan3A_227 : i32
      %swap3A_258 = arith.index_cast %add3A_257 : i32 to index
      %swap3A_259 = arith.constant 48 : index
      %swap3A_260 = tpu.vector_load %arg9[%swap3A_258, %swap3A_259] {strides = array<i32>} : memref<128x128xf32, #tpu.memory_space<vmem>>, vector<16xf32>,
      tpu.vector_store %arg9[%swap3A_258, %swap3A_259], %gather3A_255 {strides = array<i32>} : memref<128x128xf32, #tpu.memory_space<vmem>>, vector<16xf32>,
      %get3A_261 = arith.index_cast %scan3A_227 : i32 to index
      %get3A_262 = arith.constant 64 : index
      %get3A_263 = tpu.vector_load %arg8[%get3A_261, %get3A_262] {strides = array<i32>} : memref<32x128xi32, #tpu.memory_space<vmem>>, vector<16xi32>,
      %gather3A_264 = tpu.vector_load_idx %arg6[%get3A_263] : memref<100000xf32, #tpu.memory_space<vmem>>[vector<16xi32>], vector<16xf32>,
      %add3A_265 = arith.constant 96 : i32
      %add3A_266 = arith.addi %add3A_265, %scan3A_227 : i32
      %swap3A_267 = arith.index_cast %add3A_266 : i32 to index
      %swap3A_268 = arith.constant 64 : index
      %swap3A_269 = tpu.vector_load %arg9[%swap3A_267, %swap3A_268] {strides = array<i32>} : memref<128x128xf32, #tpu.memory_space<vmem>>, vector<16xf32>,
      tpu.vector_store %arg9[%swap3A_267, %swap3A_268], %gather3A_264 {strides = array<i32>} : memref<128x128xf32, #tpu.memory_space<vmem>>, vector<16xf32>,
      %get3A_270 = arith.index_cast %scan3A_227 : i32 to index
      %get3A_271 = arith.constant 80 : index
      %get3A_272 = tpu.vector_load %arg8[%get3A_270, %get3A_271] {strides = array<i32>} : memref<32x128xi32, #tpu.memory_space<vmem>>, vector<16xi32>,
      %gather3A_273 = tpu.vector_load_idx %arg6[%get3A_272] : memref<100000xf32, #tpu.memory_space<vmem>>[vector<16xi32>], vector<16xf32>,
      %add3A_274 = arith.constant 96 : i32
      %add3A_275 = arith.addi %add3A_274, %scan3A_227 : i32
      %swap3A_276 = arith.index_cast %add3A_275 : i32 to index
      %swap3A_277 = arith.constant 80 : index
      %swap3A_278 = tpu.vector_load %arg9[%swap3A_276, %swap3A_277] {strides = array<i32>} : memref<128x128xf32, #tpu.memory_space<vmem>>, vector<16xf32>,
      tpu.vector_store %arg9[%swap3A_276, %swap3A_277], %gather3A_273 {strides = array<i32>} : memref<128x128xf32, #tpu.memory_space<vmem>>, vector<16xf32>,
      %get3A_279 = arith.index_cast %scan3A_227 : i32 to index
      %get3A_280 = arith.constant 96 : index
      %get3A_281 = tpu.vector_load %arg8[%get3A_279, %get3A_280] {strides = array<i32>} : memref<32x128xi32, #tpu.memory_space<vmem>>, vector<16xi32>,
      %gather3A_282 = tpu.vector_load_idx %arg6[%get3A_281] : memref<100000xf32, #tpu.memory_space<vmem>>[vector<16xi32>], vector<16xf32>,
      %add3A_283 = arith.constant 96 : i32
      %add3A_284 = arith.addi %add3A_283, %scan3A_227 : i32
      %swap3A_285 = arith.index_cast %add3A_284 : i32 to index
      %swap3A_286 = arith.constant 96 : index
      %swap3A_287 = tpu.vector_load %arg9[%swap3A_285, %swap3A_286] {strides = array<i32>} : memref<128x128xf32, #tpu.memory_space<vmem>>, vector<16xf32>,
      tpu.vector_store %arg9[%swap3A_285, %swap3A_286], %gather3A_282 {strides = array<i32>} : memref<128x128xf32, #tpu.memory_space<vmem>>, vector<16xf32>,
      %get3A_288 = arith.index_cast %scan3A_227 : i32 to index
      %get3A_289 = arith.constant 112 : index
      %get3A_290 = tpu.vector_load %arg8[%get3A_288, %get3A_289] {strides = array<i32>} : memref<32x128xi32, #tpu.memory_space<vmem>>, vector<16xi32>,
      %gather3A_291 = tpu.vector_load_idx %arg6[%get3A_290] : memref<100000xf32, #tpu.memory_space<vmem>>[vector<16xi32>], vector<16xf32>,
      %add3A_292 = arith.constant 96 : i32
      %add3A_293 = arith.addi %add3A_292, %scan3A_227 : i32
      %swap3A_294 = arith.index_cast %add3A_293 : i32 to index
      %swap3A_295 = arith.constant 112 : index
      %swap3A_296 = tpu.vector_load %arg9[%swap3A_294, %swap3A_295] {strides = array<i32>} : memref<128x128xf32, #tpu.memory_space<vmem>>, vector<16xf32>,
      tpu.vector_store %arg9[%swap3A_294, %swap3A_295], %gather3A_291 {strides = array<i32>} : memref<128x128xf32, #tpu.memory_space<vmem>>, vector<16xf32>,
      %scan3A_297 = arith.constant 1 : i32
      %scan3A_298 = arith.addi %scan3A_227, %scan3A_297 : i32
      %get3A_299 = arith.index_cast %scan3A_298 : i32 to index
      %get3A_300 = arith.constant 0 : index
      %get3A_301 = tpu.vector_load %arg8[%get3A_299, %get3A_300] {strides = array<i32>} : memref<32x128xi32, #tpu.memory_space<vmem>>, vector<16xi32>,
      %gather3A_302 = tpu.vector_load_idx %arg6[%get3A_301] : memref<100000xf32, #tpu.memory_space<vmem>>[vector<16xi32>], vector<16xf32>,
      %add3A_303 = arith.constant 96 : i32
      %add3A_304 = arith.addi %add3A_303, %scan3A_298 : i32
      %swap3A_305 = arith.index_cast %add3A_304 : i32 to index
      %swap3A_306 = arith.constant 0 : index
      %swap3A_307 = tpu.vector_load %arg9[%swap3A_305, %swap3A_306] {strides = array<i32>} : memref<128x128xf32, #tpu.memory_space<vmem>>, vector<16xf32>,
      tpu.vector_store %arg9[%swap3A_305, %swap3A_306], %gather3A_302 {strides = array<i32>} : memref<128x128xf32, #tpu.memory_space<vmem>>, vector<16xf32>,
      %get3A_308 = arith.index_cast %scan3A_298 : i32 to index
      %get3A_309 = arith.constant 16 : index
      %get3A_310 = tpu.vector_load %arg8[%get3A_308, %get3A_309] {strides = array<i32>} : memref<32x128xi32, #tpu.memory_space<vmem>>, vector<16xi32>,
      %gather3A_311 = tpu.vector_load_idx %arg6[%get3A_310] : memref<100000xf32, #tpu.memory_space<vmem>>[vector<16xi32>], vector<16xf32>,
      %add3A_312 = arith.constant 96 : i32
      %add3A_313 = arith.addi %add3A_312, %scan3A_298 : i32
      %swap3A_314 = arith.index_cast %add3A_313 : i32 to index
      %swap3A_315 = arith.constant 16 : index
      %swap3A_316 = tpu.vector_load %arg9[%swap3A_314, %swap3A_315] {strides = array<i32>} : memref<128x128xf32, #tpu.memory_space<vmem>>, vector<16xf32>,
      tpu.vector_store %arg9[%swap3A_314, %swap3A_315], %gather3A_311 {strides = array<i32>} : memref<128x128xf32, #tpu.memory_space<vmem>>, vector<16xf32>,
      %get3A_317 = arith.index_cast %scan3A_298 : i32 to index
      %get3A_318 = arith.constant 32 : index
      %get3A_319 = tpu.vector_load %arg8[%get3A_317, %get3A_318] {strides = array<i32>} : memref<32x128xi32, #tpu.memory_space<vmem>>, vector<16xi32>,
      %gather3A_320 = tpu.vector_load_idx %arg6[%get3A_319] : memref<100000xf32, #tpu.memory_space<vmem>>[vector<16xi32>], vector<16xf32>,
      %add3A_321 = arith.constant 96 : i32
      %add3A_322 = arith.addi %add3A_321, %scan3A_298 : i32
      %swap3A_323 = arith.index_cast %add3A_322 : i32 to index
      %swap3A_324 = arith.constant 32 : index
      %swap3A_325 = tpu.vector_load %arg9[%swap3A_323, %swap3A_324] {strides = array<i32>} : memref<128x128xf32, #tpu.memory_space<vmem>>, vector<16xf32>,
      tpu.vector_store %arg9[%swap3A_323, %swap3A_324], %gather3A_320 {strides = array<i32>} : memref<128x128xf32, #tpu.memory_space<vmem>>, vector<16xf32>,
      %get3A_326 = arith.index_cast %scan3A_298 : i32 to index
      %get3A_327 = arith.constant 48 : index
      %get3A_328 = tpu.vector_load %arg8[%get3A_326, %get3A_327] {strides = array<i32>} : memref<32x128xi32, #tpu.memory_space<vmem>>, vector<16xi32>,
      %gather3A_329 = tpu.vector_load_idx %arg6[%get3A_328] : memref<100000xf32, #tpu.memory_space<vmem>>[vector<16xi32>], vector<16xf32>,
      %add3A_330 = arith.constant 96 : i32
      %add3A_331 = arith.addi %add3A_330, %scan3A_298 : i32
      %swap3A_332 = arith.index_cast %add3A_331 : i32 to index
      %swap3A_333 = arith.constant 48 : index
      %swap3A_334 = tpu.vector_load %arg9[%swap3A_332, %swap3A_333] {strides = array<i32>} : memref<128x128xf32, #tpu.memory_space<vmem>>, vector<16xf32>,
      tpu.vector_store %arg9[%swap3A_332, %swap3A_333], %gather3A_329 {strides = array<i32>} : memref<128x128xf32, #tpu.memory_space<vmem>>, vector<16xf32>,
      %get3A_335 = arith.index_cast %scan3A_298 : i32 to index
      %get3A_336 = arith.constant 64 : index
      %get3A_337 = tpu.vector_load %arg8[%get3A_335, %get3A_336] {strides = array<i32>} : memref<32x128xi32, #tpu.memory_space<vmem>>, vector<16xi32>,
      %gather3A_338 = tpu.vector_load_idx %arg6[%get3A_337] : memref<100000xf32, #tpu.memory_space<vmem>>[vector<16xi32>], vector<16xf32>,
      %add3A_339 = arith.constant 96 : i32
      %add3A_340 = arith.addi %add3A_339, %scan3A_298 : i32
      %swap3A_341 = arith.index_cast %add3A_340 : i32 to index
      %swap3A_342 = arith.constant 64 : index
      %swap3A_343 = tpu.vector_load %arg9[%swap3A_341, %swap3A_342] {strides = array<i32>} : memref<128x128xf32, #tpu.memory_space<vmem>>, vector<16xf32>,
      tpu.vector_store %arg9[%swap3A_341, %swap3A_342], %gather3A_338 {strides = array<i32>} : memref<128x128xf32, #tpu.memory_space<vmem>>, vector<16xf32>,
      %get3A_344 = arith.index_cast %scan3A_298 : i32 to index
      %get3A_345 = arith.constant 80 : index
      %get3A_346 = tpu.vector_load %arg8[%get3A_344, %get3A_345] {strides = array<i32>} : memref<32x128xi32, #tpu.memory_space<vmem>>, vector<16xi32>,
      %gather3A_347 = tpu.vector_load_idx %arg6[%get3A_346] : memref<100000xf32, #tpu.memory_space<vmem>>[vector<16xi32>], vector<16xf32>,
      %add3A_348 = arith.constant 96 : i32
      %add3A_349 = arith.addi %add3A_348, %scan3A_298 : i32
      %swap3A_350 = arith.index_cast %add3A_349 : i32 to index
      %swap3A_351 = arith.constant 80 : index
      %swap3A_352 = tpu.vector_load %arg9[%swap3A_350, %swap3A_351] {strides = array<i32>} : memref<128x128xf32, #tpu.memory_space<vmem>>, vector<16xf32>,
      tpu.vector_store %arg9[%swap3A_350, %swap3A_351], %gather3A_347 {strides = array<i32>} : memref<128x128xf32, #tpu.memory_space<vmem>>, vector<16xf32>,
      %get3A_353 = arith.index_cast %scan3A_298 : i32 to index
      %get3A_354 = arith.constant 96 : index
      %get3A_355 = tpu.vector_load %arg8[%get3A_353, %get3A_354] {strides = array<i32>} : memref<32x128xi32, #tpu.memory_space<vmem>>, vector<16xi32>,
      %gather3A_356 = tpu.vector_load_idx %arg6[%get3A_355] : memref<100000xf32, #tpu.memory_space<vmem>>[vector<16xi32>], vector<16xf32>,
      %add3A_357 = arith.constant 96 : i32
      %add3A_358 = arith.addi %add3A_357, %scan3A_298 : i32
      %swap3A_359 = arith.index_cast %add3A_358 : i32 to index
      %swap3A_360 = arith.constant 96 : index
      %swap3A_361 = tpu.vector_load %arg9[%swap3A_359, %swap3A_360] {strides = array<i32>} : memref<128x128xf32, #tpu.memory_space<vmem>>, vector<16xf32>,
      tpu.vector_store %arg9[%swap3A_359, %swap3A_360], %gather3A_356 {strides = array<i32>} : memref<128x128xf32, #tpu.memory_space<vmem>>, vector<16xf32>,
      %get3A_362 = arith.index_cast %scan3A_298 : i32 to index
      %get3A_363 = arith.constant 112 : index
      %get3A_364 = tpu.vector_load %arg8[%get3A_362, %get3A_363] {strides = array<i32>} : memref<32x128xi32, #tpu.memory_space<vmem>>, vector<16xi32>,
      %gather3A_365 = tpu.vector_load_idx %arg6[%get3A_364] : memref<100000xf32, #tpu.memory_space<vmem>>[vector<16xi32>], vector<16xf32>,
      %add3A_366 = arith.constant 96 : i32
      %add3A_367 = arith.addi %add3A_366, %scan3A_298 : i32
      %swap3A_368 = arith.index_cast %add3A_367 : i32 to index
      %swap3A_369 = arith.constant 112 : index
      %swap3A_370 = tpu.vector_load %arg9[%swap3A_368, %swap3A_369] {strides = array<i32>} : memref<128x128xf32, #tpu.memory_space<vmem>>, vector<16xf32>,
      tpu.vector_store %arg9[%swap3A_368, %swap3A_369], %gather3A_365 {strides = array<i32>} : memref<128x128xf32, #tpu.memory_space<vmem>>, vector<16xf32>,
    }
    %scan3A_181 = arith.constant 32 : i32
    %jit3A_182 = arith.constant 8 : i32
    %div3A_183 = arith.divsi %add3A_109, %jit3A_182 : i32
    %sign3A_184 = arith.constant 0 : i32
    %sign3A_185 = arith.cmpi sgt, %add3A_109, %sign3A_184 : i32
    %sign3A_186 = arith.extui %sign3A_185 : i1 to i32
    %sign3A_187 = arith.constant 0 : i32
    %sign3A_188 = arith.cmpi slt, %add3A_109, %sign3A_187 : i32
    %sign3A_189 = arith.extui %sign3A_188 : i1 to i32
    %sign3A_190 = arith.subi %sign3A_186, %sign3A_189 : i32
    %sign3A_191 = arith.constant 0 : i32
    %sign3A_192 = arith.cmpi sgt, %jit3A_182, %sign3A_191 : i32
    %sign3A_193 = arith.extui %sign3A_192 : i1 to i32
    %sign3A_194 = arith.constant 0 : i32
    %sign3A_195 = arith.cmpi slt, %jit3A_182, %sign3A_194 : i32
    %sign3A_196 = arith.extui %sign3A_195 : i1 to i32
    %sign3A_197 = arith.subi %sign3A_193, %sign3A_196 : i32
    %ne3A_198 = arith.cmpi ne, %sign3A_190, %sign3A_197 : i32
    %rem3A_199 = arith.remsi %add3A_109, %jit3A_182 : i32
    %ne3A_200 = arith.constant 0 : i32
    %ne3A_201 = arith.cmpi ne, %rem3A_199, %ne3A_200 : i32
    %and3A_202 = arith.andi %ne3A_198, %ne3A_201 : i1
    %sub3A_203 = arith.constant 1 : i32
    %sub3A_204 = arith.subi %div3A_183, %sub3A_203 : i32
    %select_n3A_205 = arith.select %and3A_202, %sub3A_204, %div3A_183 : i32
    %jit3A_206 = arith.constant 8 : i32
    %eq3A_207 = arith.constant 0 : i32
    %eq3A_208 = arith.cmpi eq, %jit3A_206, %eq3A_207 : i32
    %jit3A_209 = arith.constant 1 : i32
    %select_n3A_210 = arith.select %eq3A_208, %jit3A_209, %jit3A_206 : i32
    %rem3A_211 = arith.remsi %add3A_109, %select_n3A_210 : i32
    %ne3A_212 = arith.constant 0 : i32
    %ne3A_213 = arith.cmpi ne, %rem3A_211, %ne3A_212 : i32
    %lt3A_214 = arith.constant 0 : i32
    %lt3A_215 = arith.cmpi slt, %rem3A_211, %lt3A_214 : i32
    %lt3A_216 = arith.constant 0 : i32
    %lt3A_217 = arith.cmpi slt, %select_n3A_210, %lt3A_216 : i32
    %ne3A_218 = arith.xori %lt3A_215, %lt3A_217 : i1
    %and3A_219 = arith.andi %ne3A_218, %ne3A_213 : i1
    %add3A_220 = arith.addi %rem3A_211, %select_n3A_210 : i32
    %select_n3A_221 = arith.select %and3A_219, %add3A_220, %rem3A_211 : i32
    %mul3A_222 = arith.constant 128 : i32
    %mul3A_223 = arith.muli %select_n3A_221, %mul3A_222 : i32
    "tpu.region"() ({
      %run_scoped3A = tpu.sem_alloc : memref<!tpu.dma_semaphore, #tpu.memory_space<semaphore_mem>>
      %dma_start3A_227 = arith.constant 0 : i32
      %dma_start3A_228 = tpu.memref_slice %arg5[%select_n3A_205, %dma_start3A_227, %mul3A_223] : memref<9x128x1024xf32, #tpu.memory_space<hbm>> -> memref<1x128x128xf32, #tpu.memory_space<hbm>>
      %dma_start3A_229 = tpu.memref_squeeze %dma_start3A_228 : memref<1x128x128xf32, #tpu.memory_space<hbm>> -> memref<128x128xf32, #tpu.memory_space<hbm>>
      %dma_start3A_230 = arith.constant 0 : i32
      %dma_start3A_231 = tpu.memref_slice %arg5[%select_n3A_205, %dma_start3A_230, %mul3A_223] : memref<9x128x1024xf32, #tpu.memory_space<hbm>> -> memref<1x128x128xf32, #tpu.memory_space<hbm>>
      %dma_start3A_232 = tpu.memref_squeeze %dma_start3A_231 : memref<1x128x128xf32, #tpu.memory_space<hbm>> -> memref<128x128xf32, #tpu.memory_space<hbm>>
      tpu.enqueue_dma source(%arg9 : memref<128x128xf32, #tpu.memory_space<vmem>>) target(%dma_start3A_232 : memref<128x128xf32, #tpu.memory_space<hbm>>) target_semaphore(%run_scoped3A : memref<!tpu.dma_semaphore, #tpu.memory_space<semaphore_mem>>)
      %dma_wait3A_233 = arith.constant 0 : i32
      %dma_wait3A_234 = tpu.memref_slice %arg5[%select_n3A_205, %dma_wait3A_233, %mul3A_223] : memref<9x128x1024xf32, #tpu.memory_space<hbm>> -> memref<1x128x128xf32, #tpu.memory_space<hbm>>
      %dma_wait3A_235 = tpu.memref_squeeze %dma_wait3A_234 : memref<1x128x128xf32, #tpu.memory_space<hbm>> -> memref<128x128xf32, #tpu.memory_space<hbm>>
      %dma_wait3A_236 = arith.constant 0 : i32
      %dma_wait3A_237 = tpu.memref_slice %arg5[%select_n3A_205, %dma_wait3A_236, %mul3A_223] : memref<9x128x1024xf32, #tpu.memory_space<hbm>> -> memref<1x128x128xf32, #tpu.memory_space<hbm>>
      %dma_wait3A_238 = tpu.memref_squeeze %dma_wait3A_237 : memref<1x128x128xf32, #tpu.memory_space<hbm>> -> memref<128x128xf32, #tpu.memory_space<hbm>>
      tpu.wait_dma2 semaphore(%run_scoped3A : memref<!tpu.dma_semaphore, #tpu.memory_space<semaphore_mem>>) src(%arg9 : memref<128x128xf32, #tpu.memory_space<vmem>>) dst(%dma_wait3A_238 : memref<128x128xf32, #tpu.memory_space<hbm>>)
      tpu.yield
    }) : () -> ()
    %lt3A_224 = arith.constant 8 : i32
    %lt3A_225 = arith.cmpi slt, %add3A, %lt3A_224 : i32
    %convert_element_type3A = arith.extui %lt3A_225 : i1 to i32
    %cond3A = arith.constant 0 : i32
    %cond3A_226 = arith.cmpi ne, %convert_element_type3A, %cond3A : i32
    scf.if %cond3A_226 {
      %mul3A_227 = arith.constant 128 : i32
      %mul3A_228 = arith.muli %add3A, %mul3A_227 : i32
      %run_scoped3A = arith.constant 8 : i32
      "tpu.region"() ({
        %run_scoped3A_229 = tpu.sem_alloc : memref<!tpu.dma_semaphore, #tpu.memory_space<semaphore_mem>>
        %dma_start3A_230 = arith.constant 0 : i32
        %dma_start3A_231 = tpu.memref_slice %arg5[%run_scoped3A, %dma_start3A_230, %mul3A_228] : memref<9x128x1024xf32, #tpu.memory_space<hbm>> -> memref<1x128x128xf32, #tpu.memory_space<hbm>>
        %dma_start3A_232 = tpu.memref_squeeze %dma_start3A_231 : memref<1x128x128xf32, #tpu.memory_space<hbm>> -> memref<128x128xf32, #tpu.memory_space<hbm>>
        %dma_start3A_233 = arith.constant 0 : i32
        %dma_start3A_234 = arith.constant 0 : i32
        %dma_start3A_235 = tpu.memref_slice %arg3[%add3A, %dma_start3A_233, %dma_start3A_234] : memref<8x128x128xf32, #tpu.memory_space<hbm>> -> memref<1x128x128xf32, #tpu.memory_space<hbm>>
        %dma_start3A_236 = tpu.memref_squeeze %dma_start3A_235 : memref<1x128x128xf32, #tpu.memory_space<hbm>> -> memref<128x128xf32, #tpu.memory_space<hbm>>
        tpu.enqueue_dma source(%dma_start3A_236 : memref<128x128xf32, #tpu.memory_space<hbm>>) target(%dma_start3A_232 : memref<128x128xf32, #tpu.memory_space<hbm>>) target_semaphore(%run_scoped3A_229 : memref<!tpu.dma_semaphore, #tpu.memory_space<semaphore_mem>>)
        %dma_wait3A_237 = arith.constant 0 : i32
        %dma_wait3A_238 = tpu.memref_slice %arg5[%run_scoped3A, %dma_wait3A_237, %mul3A_228] : memref<9x128x1024xf32, #tpu.memory_space<hbm>> -> memref<1x128x128xf32, #tpu.memory_space<hbm>>
        %dma_wait3A_239 = tpu.memref_squeeze %dma_wait3A_238 : memref<1x128x128xf32, #tpu.memory_space<hbm>> -> memref<128x128xf32, #tpu.memory_space<hbm>>
        %dma_wait3A_240 = arith.constant 0 : i32
        %dma_wait3A_241 = arith.constant 0 : i32
        %dma_wait3A_242 = tpu.memref_slice %arg3[%add3A, %dma_wait3A_240, %dma_wait3A_241] : memref<8x128x128xf32, #tpu.memory_space<hbm>> -> memref<1x128x128xf32, #tpu.memory_space<hbm>>
        %dma_wait3A_243 = tpu.memref_squeeze %dma_wait3A_242 : memref<1x128x128xf32, #tpu.memory_space<hbm>> -> memref<128x128xf32, #tpu.memory_space<hbm>>
        tpu.wait_dma2 semaphore(%run_scoped3A_229 : memref<!tpu.dma_semaphore, #tpu.memory_space<semaphore_mem>>) src(%dma_wait3A_243 : memref<128x128xf32, #tpu.memory_space<hbm>>) dst(%dma_wait3A_239 : memref<128x128xf32, #tpu.memory_space<hbm>>)
        tpu.yield
      }) : () -> ()
    } else {
    }
    return
  }
}

</mosaic_0001>

<sc_bundles>
// kernel: kernel.3.cloned.1.call-start
scs
__scs_entry_jumppad:
0x0: {  	(pc) =	sbr.rel $0x88, $3  }
0x1: {  	(tag) =	ssettag $0x0;
	lr =	simm.s32 $0x1  }
0x2: {  	[smem:$0x3F9E] =	sst lr;
	_ =	strace $0xD0000000  }
0x3: {  	_ = 	snop  }
0x4: {  	_ = 	snop  }
0x5: {  	_ = 	snop  }
0x6: {  	_ = 	snop  }
0x7: {  	_ = 	snop  }
__scs_overlays_trampoline_lowered:
0x8: {  	[smem:$0x3FAD] =	sst s0  }
0x9: {  	[smem:$0x3FAE] =	sst s1  }
0xa: {  	[smem:$0x3FAF] =	sst s2  }
0xb: {  	[smem:$0x3FB0] =	sst s3  }
0xc: {  	[smem:$0x3FB1] =	sst s4  }
0xd: {  	[smem:$0x3FB2] =	sst s5  }
0xe: {  	[smem:$0x3FB3] =	sst s6  }
0xf: {  	[smem:$0x3FB4] =	sst s7  }
0x10: {  	[smem:$0x3FB5] =	sst s8  }
0x11: {  	[smem:$0x3FB6] =	sst s9;
	s0 =	simm.s32 @!p0 $0x0  }
0x12: {  	s1 =	sld [smem:$0x3F9C];
	s0 =	simm.s32 @p0 $0x1  }
0x13: {  	[smem:$0x3FB7] =	sst s0;
	s0 =	simm.s32 @!p1 $0x0  }
0x14: {  	s2 =	sld [smem:$0x3F9B];
	s0 =	simm.s32 @p1 $0x1  }
0x15: {  	[smem:$0x3FB8] =	sst s0;
	s0 =	simm.s32 @!p2 $0x0  }
0x16: {  	s3 =	sld [smem:$0x3FDB];
	s0 =	simm.s32 @p2 $0x1  }
0x17: {  	s4 =	simm.s32 $0x1BF5;
	[smem:$0x3FBA] =	sst s0  }
0x18: {  	s0 =	sld [smem:$0x3F9D];
	_ =	swait.ge [sflag:s4], $0x0  }
0x19: {  	s7 =	sld [smem:$0x3F9E]  }
0x1a: {  	s8 =	sadd.s32 $0xFFFFE003, lr  }
0x1b: {  	s9 =	sadd.s32 $0xFFFFFEF7, lr;
	s5 =	simm.s32 $0xFFFFFFFF;
	p2 =	slt.u32 s8, $0xFFFFF086  }
0x1c: {  	p1 =	slt.u32 s9, $0xF7A;
	s5 =	simm.s32 @!p2 $0x0  }
0x1d: {  	s5 =	simm.s32 @p1 $0x1;
	p0 =	seq.s32 s7, s2  }
0x1e: {  	s7 =	smul.u32 @!p0 $0xF7A, s2;
	p2 =	seq.s32 @!p0 s5, $0x0  }
0x1f: {  	s9 =	smul.u32 $0xF7A, s1;
	s8 =	simm.s32 @!p0 $0x1BF5;
	p2 =	por !p2, p0  }
0x20: {  	[sflag:s8] =	ssyncset.s32 @!p0 $0xFFFFF086;
	s6 =	sadd.s32 @!p0 s3, s7;
	s7 =	simm.s32 @!p0 $0x108  }
0x21: {  	s3 =	sadd.s32 s3, s9;
	s6 =	sadd.s32 @!p0 $0x88, s6;
	s7 =	simm.s32 @p2 $0x1082  }
0x22: {  	[simem:s7], [sflag:s8] =	dma.local @!p0 [hbm:s6], $0xF7A  }
0x23: {  	s9 =	sor.u32 $0xD0000000, s2;
	s6 =	simm.s32 $0x108;
	_ =	swait.ge @!p0 [sflag:s8], $0x0  }
0x24: {  	s3 =	sadd.s32 $0x88, s3;
	s6 =	simm.s32 @!p1 $0x1082;
	[sflag:s4] =	ssyncset.s32 $0xFFFFF086  }
0x25: {  	[simem:s6], [sflag:s4] =	dma.local [hbm:s3], $0xF7A  }
0x26: {  	[smem:$0x3F9E] =	sst s1;
	(tag) =	ssettag s2;
	_ =	strace s9  }
0x27: {  	s1 =	sld [smem:$0x3FAE]  }
0x28: {  	s2 =	sld [smem:$0x3FAF]  }
0x29: {  	s4 =	sld [smem:$0x3FB1]  }
0x2a: {  	p0 =	seq.s32 s5, $0x0;
	s5 =	sld [smem:$0x3FB2]  }
0x2b: {  	s6 =	sld [smem:$0x3FB3]  }
0x2c: {  	s7 =	sld [smem:$0x3FB4]  }
0x2d: {  	s3 =	simm.s32 $0x108;
	s8 =	sld [smem:$0x3FB5]  }
0x2e: {  	s3 =	simm.s32 @!p0 $0x1082;
	s9 =	sld [smem:$0x3FB6]  }
0x2f: {  	lr =	sadd.s32 s0, s3;
	s0 =	sld [smem:$0x3FAD]  }
0x30: {  	s3 =	sld [smem:$0x3FB0]  }
0x31: {  	[smem:$0x3FB9] =	sst s10  }
0x32: {  	s10 =	sld [smem:$0x3FB7];
	_ =	sdelay $0x3  }
0x33: {  	p0 =	seq.s32 s10, $0x1;
	s10 =	sld [smem:$0x3FB9];
	_ =	sdelay $0x3  }
0x34: {  	[smem:$0x3FB9] =	sst s10  }
0x35: {  	s10 =	sld [smem:$0x3FB8];
	_ =	sdelay $0x3  }
0x36: {  	p1 =	seq.s32 s10, $0x1;
	s10 =	sld [smem:$0x3FB9];
	_ =	sdelay $0x3  }
0x37: {  	[smem:$0x3FB9] =	sst s10  }
0x38: {  	s10 =	sld [smem:$0x3FBA]  }
0x39: {  	_ = 	snop;
	(pc) =	sbr.ind lr, $3  }
0x3a: {  	_ = 	snop  }
0x3b: {  	_ = 	snop  }
0x3c: {  	p2 =	seq.s32 s10, $0x1;
	s10 =	sld [smem:$0x3FB9]  }
0x3d: {  	_ =	shalt  }
0x3e: {  	_ =	shalt  }
0x3f: {  	_ =	shalt  }
0x40: {  	_ =	shalt  }
0x41: {  	_ =	shalt  }
0x42: {  	_ =	shalt  }
0x43: {  	_ =	shalt  }
0x44: {  	_ =	shalt  }
0x45: {  	_ =	shalt  }
0x46: {  	_ =	shalt  }
0x47: {  	_ =	shalt  }
0x48: {  	_ =	shalt  }
0x49: {  	_ =	shalt  }
0x4a: {  	_ =	shalt  }
0x4b: {  	_ =	shalt  }
0x4c: {  	_ =	shalt  }
0x4d: {  	_ =	shalt  }
0x4e: {  	_ =	shalt  }
0x4f: {  	_ =	shalt  }
0x50: {  	_ =	shalt  }
0x51: {  	_ =	shalt  }
0x52: {  	_ =	shalt  }
0x53: {  	_ =	shalt  }
0x54: {  	_ =	shalt  }
0x55: {  	_ =	shalt  }
0x56: {  	_ =	shalt  }
0x57: {  	_ =	shalt  }
0x58: {  	_ =	shalt  }
0x59: {  	_ =	shalt  }
0x5a: {  	_ =	shalt  }
0x5b: {  	_ =	shalt  }
0x5c: {  	_ =	shalt  }
0x5d: {  	_ =	shalt  }
0x5e: {  	_ =	shalt  }
0x5f: {  	_ =	shalt  }
0x60: {  	_ =	shalt  }
0x61: {  	_ =	shalt  }
0x62: {  	_ =	shalt  }
0x63: {  	_ =	shalt  }
0x64: {  	_ =	shalt  }
0x65: {  	_ =	shalt  }
0x66: {  	_ =	shalt  }
0x67: {  	_ =	shalt  }
0x68: {  	_ =	shalt  }
0x69: {  	_ =	shalt  }
0x6a: {  	_ =	shalt  }
0x6b: {  	_ =	shalt  }
0x6c: {  	_ =	shalt  }
0x6d: {  	_ =	shalt  }
0x6e: {  	_ =	shalt  }
0x6f: {  	_ =	shalt  }
0x70: {  	_ =	shalt  }
0x71: {  	_ =	shalt  }
0x72: {  	_ =	shalt  }
0x73: {  	_ =	shalt  }
0x74: {  	_ =	shalt  }
0x75: {  	_ =	shalt  }
0x76: {  	_ =	shalt  }
0x77: {  	_ =	shalt  }
0x78: {  	_ =	shalt  }
0x79: {  	_ =	shalt  }
0x7a: {  	_ =	shalt  }
0x7b: {  	_ =	shalt  }
0x7c: {  	_ =	shalt  }
0x7d: {  	_ =	shalt  }
0x7e: {  	_ =	shalt  }
0x7f: {  	_ =	shalt  }
0x80: {  	_ =	shalt  }
0x81: {  	_ =	shalt  }
0x82: {  	_ =	shalt  }
0x83: {  	_ =	shalt  }
0x84: {  	_ =	shalt  }
0x85: {  	_ =	shalt  }
0x86: {  	_ =	shalt  }
0x87: {  	_ =	shalt  }
.Lfunc_end0:
.L_simem_size_0:
called_computation_lowered:
.L_overlay_start_0:
0x88: {  	s2 =	sld [smem:$0x3FD9]  }
0x89: {  	s3 =	sld [smem:$0x3FFE];
	_ =	sdelay $0x1  }
0x8a: {  	s1 =	srdreg.scid  }
0x8b: {  	s0 =	sand.u32 $0x1, s1  }
0x8c: {  	s17 =	sshll.u32 s0, $0xA;
	s2 =	sadd.s32 s3, s2  }
0x8d: {  	s2 =	sadd.s32 s2, s17  }
0x8e: {  	[smem:$0x3FC5] =	sst s2  }
0x8f: {  	_ = 	snop  }
0x90: {  	s2 =	sld [smem:$0x3FC9]  }
0x91: {  	s18 =	sld [smem:$0x3FC7]  }
0x92: {  	s4 =	sld [smem:$0x3FD0];
	(tm) =	ssettm $0x1  }
0x93: {  	s5 =	sld [smem:$0x3FFB];
	_ =	sdelay $0x3  }
0x94: {  	_ =	strace s5  }
0x95: {  	s5 =	sld [smem:$0x3FFC];
	_ =	sdelay $0x3  }
0x96: {  	_ =	strace s5  }
0x97: {  	s5 =	sld [smem:$0x3FFD];
	_ =	sdelay $0x3  }
0x98: {  	_ =	strace s5  }
0x99: {  	_ =	strace $0x8FFFFFFF  }
0x9a: {  	s19 =	sld [smem:$0x3FDB];
	_ =	sdelay $0x1  }
0x9b: {  	s6 =	simm.s32 $_scs_section_size  }
0x9c: {  	s7 =	simm.s32 $_size__tile_overlayer_lowered;
	s8 =	simm.s32 $_tile_overlayer_lowered  }
0x9d: {  	s22 =	simm.s32 $0x1BFF;
	s21 =	sshll.u32 s8, $0x1;
	s5 =	sadd.s32 s6, s19  }
0x9e: {  	s9 =	simm.s32 $0x0;
	s20 =	sshll.u32 s7, $0x1;
	s7 =	sadd.s32 s21, s5  }
0x9f: {  	[timem:s9], [sflag:s22] =	dma.local [hbm:s7], s20  }
0xa0: {  	_ =	swait.ge [sflag:s22], s20  }
0xa1: {  	s6 =	ssub.s32 $0x0, s20;
	[sflag:s22] =	ssyncset.done $0x0  }
0xa2: {  	[sflag:s22] =	ssyncadd.s32 s6;
	_ =	sdelay $0x1  }
0xa3: {  	s23 =	simm.s32 $0x1B8B  }
0xa4: {  	_ =	swait.ge [sflag:s23], $0x1  }
0xa5: {  	[sflag:s23] =	ssyncset.done $0x0  }
0xa6: {  	s25 =	simm.s32 $0x1B8E;
	s24 =	sld [smem:$0x3FFE];
	[sflag:s23] =	ssyncadd.s32 $0xFFFFFFFF  }
0xa7: {  	s26 =	simm.s32 $execute0_lowered;
	[smem:$0x3FD2] =	sst s25  }
0xa8: {  	s7 =	sshll.u32 s26, $0x1;
	_ =	strace $0x80000046;
	[dreg:$0x1] =	wrdreg $0xFFFFFFFF  }
0xa9: {  	s28 =	simm.s32 $_size_execute0_lowered;
	s5 =	sadd.s32 s5, s7;
	[dreg:$0x0] =	wrdreg $0x0  }
0xaa: {  	s7 =	sshll.u32 s28, $0x1;
	[dreg:$0x2] =	wrdreg s5  }
0xab: {  	[dreg:$0x3] =	wrdreg s7  }
0xac: {  	[dreg:$0x4] =	wrdreg $0xC0  }
0xad: {  	_ =	task [dreg:s9], $0x5FFFF  }
0xae: {  	[dreg:$0x1] =	wrdreg $0xFFFFFFFF  }
0xaf: {  	[dreg:$0x0] =	wrdreg $0x60  }
0xb0: {  	[dreg:$0x2] =	wrdreg s2  }
0xb1: {  	[dreg:$0x3] =	wrdreg s24  }
0xb2: {  	[dreg:$0x4] =	wrdreg s18  }
0xb3: {  	[dreg:$0x5] =	wrdreg s4  }
0xb4: {  	[dreg:$0x6] =	wrdreg $0x9  }
0xb5: {  	_ =	task.clear_ibuf [dreg:s9], $0x7FFFF;
	_ =	strace $0x90000046  }
0xb6: {  	s29 =	simm.s32 $0x9;
	_ =	strace $0x80000048  }
0xb7: {  	_ =	swait.ge [sflag:s29], $0x1  }
0xb8: {  	[sflag:s29] =	ssyncadd.s32 $0xFFFFFFFF  }
0xb9: {  	_ =	strace $0x90000048  }
0xba: {  	_ =	sfence  }
0xbb: {  	s30 =	sld [smem:$0x0];
	_ =	sdelay $0x2  }
0xbc: {  	s31 =	sshll.u32 s1, $0xD;
	s1 =	sshrl.u32 s1, $0x2  }
0xbd: {  	s3 =	sand.u32 $0x4000, s31;
	s1 =	sadd.s32 s1, s30  }
0xbe: {  	s0 =	sor.u32 s3, s0;
	s1 =	sshll.u32 s1, $0x11  }
0xbf: {  	s0 =	sor.u32 s1, s0  }
0xc0: {  	s0 =	sadd.s32 $0x8F2B, s0  }
0xc1: {  	[sflag:s0] =	ssyncadd.remote.s32 $0x1  }
0xc2: {  	_ =	sfence.sel $0xFFFF  }
0xc3: {  	[dreg:$0x0] =	wrdreg $0xFFFFFFFF;
	(pc) =	sbr.abs _section_cstart, $3  }
0xc4: {  	[dreg:$0x1] =	wrdreg $0xFFFFFFFF  }
0xc5: {  	_ =	task.clear_ibuf [dreg:s9], $0x2FFFF;
	_ =	strace $0x9FFFFFFF  }
0xc6: {  	(tm) =	ssettm $0x7FFFFFFF  }
0xc7: {  	_ =	shalt  }
tec
execute0_lowered:
.L_overlay_start_1:
0x0: {  	(tag) =	ssettag $0x1  }
0x1: {  	s1 =	rddreg [dreg:$0x0]  }
0x2: {  	s4 =	rddreg [dreg:$0x1]  }
0x3: {  	s9 =	rddreg [dreg:$0x2]  }
0x4: {  	s10 =	rddreg [dreg:$0x3];
	s3 =	srdreg.scid  }
0x5: {  	s2 =	stileid.u32;
	s0 =	rddreg [dreg:$0x4];
	s18 =	simm.s32 $0x1  }
0x6: {  	s19 =	simm.s32 $0x19700;
	s20 =	simm.s32 $0x2000;
	s21 =	simm.s32 $0x1A700  }
0x7: {  	s22 =	simm.s32 $0x0;
	s5 =	sand.u32 $0x1, s3;
	s6 =	sshll.u32 s2, $0x1  }
0x8: {  	s3 =	simm.s32 $0x0;
	s29 =	sshrl.u32 s2, $0x1;
	s15 =	sshll.u32 s2, $0x10  }
0x9: {  	p0 =	sgt.u32 s2, $0x3;
	s11 =	sor.u32 s5, s6;
	[smem:$0x7FF] =	sst s3  }
0xa: {  	s12 =	smul.u32 $0xC3800, s29;
	s5 =	ssub.s32 $0x2, s5;
	s30 =	sshll.u32 s11, $0x8  }
0xb: {  	_ =	strace $0x80000047;
	s7 =	sshll.u32 s11, $0xB;
	s31 =	sshrl.u32 s5, $0x1  }
0xc: {  	s16 =	sshllo.u32 s11, $0x1;
	s11 =	sshll.u32 s11, $0x7;
	s6 =	sand.u32 $0x300, s30  }
0xd: {  	s13 =	sadd.s32 s7, s4;
	s14 =	ssub.s32 s5, s31;
	s5 =	sadd.s32 $0x200, s1  }
0xe: {  	s8 =	sor.u32 s15, s7;
	s7 =	sadd.s32 $0x600, s1;
	s17 =	sshll.u32 s16, $0x7  }
0xf: {  	s16 =	sshll.u32 s16, $0xA;
	s11 =	sadd.s32 s11, s10;
	s6 =	sor.u32 s12, s6  }
0x10: {  	s8 =	sand.u32 $0xE1800, s8;
	s17 =	sand.u32 $0x380, s17;
	s15 =	sor.u32 s15, s16  }
0x11: {  	s11 =	sadd.s32 $0x20000, s11;
	s16 =	simm.s32 $0x400;
	s6 =	sshrl.u32 s6, $0x3  }
0x12: {  	s8 =	sshrl.u32 s8, $0x3;
	s12 =	sor.u32 s12, s17;
	s15 =	sand.u32 $0xE1C00, s15  }
0x13: {  	s17 =	simm.s32 $0x2;
	s4 =	sadd.s32 s9, s6;
	s6 =	sadd.s32 $0x400, s1  }
0x14: {  	s8 =	sadd.s32 s10, s8;
	s12 =	sshrl.u32 s12, $0x3;
	s15 =	sshrl.u32 s15, $0x3  }
0x15: {  	s9 =	sadd.s32 s9, s12;
	s10 =	sadd.s32 s10, s15;
	s12 =	sadd.s32 $0x400, s13  }
0x16: {  	s13 =	smax.u32 s14, $0x1;
	s14 =	simm.s32 $0x18700;
	s15 =	simm.s32 $0x80  }
.LBB2_1:
0x17: {  	[tilespmem:s14], [sflag:$0x1] =	stream.linear.gather [hbm4b:s1+s3], $0x1000, $0x38;
	[tilespmem:$0x1E700] =	vst v63  }
0x18: {  	_ = 	snop  }
0x19: {  	[tilespmem:s3], [sflag:$0x2] =	stream.strided.gather [hbm4b:s4+s15], $0x18700, s16, s15, $0x38;
	[tilespmem:$0x1E700] =	vst v63  }
0x1a: {  	_ =	swait.ge [sflag:s17], $0x18700  }
0x1b: {  	[sflag:s17] =	ssyncset.done $0x0  }
0x1c: {  	[sflag:s17] =	ssyncadd.s32 $0xFFFE7900  }
0x1d: {  	_ =	swait.ge [sflag:s18], $0x1000  }
0x1e: {  	s23 =	simm.s32 $0xFFFFFFFE;
	[sflag:s18] =	ssyncset.done $0x0  }
0x1f: {  	s24 =	simm.s32 $0x1A780;
	s25 =	simm.s32 $0x18780;
	[sflag:s18] =	ssyncadd.s32 $0xFFFFF000  }
0x20: {  	[tilespmem:s19], [sflag:$0x1] =	stream.linear.gather [hbm4b:s5+s3], $0x1000, $0x38;
	[tilespmem:$0x1E700] =	vst v63  }
.LBB2_2:
0x21: {  	v0 =	vld [tilespmem:s25+$0xFFFFFF80];
	_ =	sdelay $0x7  }
0x22: {  	v0 =	vld.idx.msk [tilespmem:v0+s3+$0x0], $0xffff;
	_ =	sdelay $0x4  }
0x23: {  	[tilespmem:s24+$0xFFFFFF80] =	vst v0  }
0x24: {  	v0 =	vld [tilespmem:s25+$0xFFFFFF90];
	_ =	sdelay $0x7  }
0x25: {  	v0 =	vld.idx.msk [tilespmem:v0+s3+$0x0], $0xffff;
	_ =	sdelay $0x4  }
0x26: {  	[tilespmem:s24+$0xFFFFFF90] =	vst v0  }
0x27: {  	v0 =	vld [tilespmem:s25+$0xFFFFFFA0];
	_ =	sdelay $0x7  }
0x28: {  	v0 =	vld.idx.msk [tilespmem:v0+s3+$0x0], $0xffff;
	_ =	sdelay $0x4  }
0x29: {  	[tilespmem:s24+$0xFFFFFFA0] =	vst v0  }
0x2a: {  	v0 =	vld [tilespmem:s25+$0xFFFFFFB0];
	_ =	sdelay $0x7  }
0x2b: {  	v0 =	vld.idx.msk [tilespmem:v0+s3+$0x0], $0xffff;
	_ =	sdelay $0x4  }
0x2c: {  	[tilespmem:s24+$0xFFFFFFB0] =	vst v0  }
0x2d: {  	v0 =	vld [tilespmem:s25+$0xFFFFFFC0];
	_ =	sdelay $0x7  }
0x2e: {  	v0 =	vld.idx.msk [tilespmem:v0+s3+$0x0], $0xffff;
	_ =	sdelay $0x4  }
0x2f: {  	[tilespmem:s24+$0xFFFFFFC0] =	vst v0  }
0x30: {  	v0 =	vld [tilespmem:s25+$0xFFFFFFD0];
	_ =	sdelay $0x7  }
0x31: {  	v0 =	vld.idx.msk [tilespmem:v0+s3+$0x0], $0xffff;
	_ =	sdelay $0x4  }
0x32: {  	[tilespmem:s24+$0xFFFFFFD0] =	vst v0  }
0x33: {  	v0 =	vld [tilespmem:s25+$0xFFFFFFE0];
	_ =	sdelay $0x7  }
0x34: {  	v0 =	vld.idx.msk [tilespmem:v0+s3+$0x0], $0xffff;
	_ =	sdelay $0x4  }
0x35: {  	[tilespmem:s24+$0xFFFFFFE0] =	vst v0  }
0x36: {  	v0 =	vld [tilespmem:s25+$0xFFFFFFF0];
	_ =	sdelay $0x7  }
0x37: {  	v0 =	vld.idx.msk [tilespmem:v0+s3+$0x0], $0xffff;
	_ =	sdelay $0x4  }
0x38: {  	[tilespmem:s24+$0xFFFFFFF0] =	vst v0  }
0x39: {  	v0 =	vld [tilespmem:s25+$0x0];
	_ =	sdelay $0x7  }
0x3a: {  	v0 =	vld.idx.msk [tilespmem:v0+s3+$0x0], $0xffff;
	_ =	sdelay $0x4  }
0x3b: {  	[tilespmem:s24+$0x0] =	vst v0  }
0x3c: {  	v0 =	vld [tilespmem:s25+$0x10];
	_ =	sdelay $0x7  }
0x3d: {  	v0 =	vld.idx.msk [tilespmem:v0+s3+$0x0], $0xffff;
	_ =	sdelay $0x4  }
0x3e: {  	[tilespmem:s24+$0x10] =	vst v0  }
0x3f: {  	v0 =	vld [tilespmem:s25+$0x20];
	_ =	sdelay $0x7  }
0x40: {  	v0 =	vld.idx.msk [tilespmem:v0+s3+$0x0], $0xffff;
	_ =	sdelay $0x4  }
0x41: {  	[tilespmem:s24+$0x20] =	vst v0  }
0x42: {  	v0 =	vld [tilespmem:s25+$0x30];
	_ =	sdelay $0x7  }
0x43: {  	v0 =	vld.idx.msk [tilespmem:v0+s3+$0x0], $0xffff;
	_ =	sdelay $0x4  }
0x44: {  	[tilespmem:s24+$0x30] =	vst v0  }
0x45: {  	v0 =	vld [tilespmem:s25+$0x40];
	_ =	sdelay $0x7  }
0x46: {  	v0 =	vld.idx.msk [tilespmem:v0+s3+$0x0], $0xffff;
	_ =	sdelay $0x4  }
0x47: {  	[tilespmem:s24+$0x40] =	vst v0  }
0x48: {  	v0 =	vld [tilespmem:s25+$0x50];
	_ =	sdelay $0x7  }
0x49: {  	v0 =	vld.idx.msk [tilespmem:v0+s3+$0x0], $0xffff;
	_ =	sdelay $0x4  }
0x4a: {  	[tilespmem:s24+$0x50] =	vst v0  }
0x4b: {  	v0 =	vld [tilespmem:s25+$0x60];
	_ =	sdelay $0x7  }
0x4c: {  	v0 =	vld.idx.msk [tilespmem:v0+s3+$0x0], $0xffff;
	_ =	sdelay $0x4  }
0x4d: {  	[tilespmem:s24+$0x60] =	vst v0  }
0x4e: {  	v0 =	vld [tilespmem:s25+$0x70];
	_ =	sdelay $0x6  }
0x4f: {  	s23 =	sadd.s32 $0x2, s23  }
0x50: {  	p1 =	slt.u32 s23, $0x1E;
	v0 =	vld.idx.msk [tilespmem:v0+s3+$0x0], $0xffff  }
.Ltmp0:
0x51: {  	_ = 	snop;
	(pc) =	sbr.rel @p1 .LBB2_2-.Ltmp0, $2  }
0x52: {  	_ =	sdelay $0x2  }
0x53: {  	s25 =	sadd.s32 $0x100, s25;
	[tilespmem:s24+$0x70] =	vst v0;
	s24 =	sadd.s32 $0x100, s24  }
0x54: {  	_ =	swait.ge [sflag:s18], $0x1000  }
0x55: {  	s23 =	simm.s32 $0xFFFFFFFE;
	[sflag:s18] =	ssyncset.done $0x0  }
0x56: {  	s24 =	simm.s32 $0x19780;
	s25 =	simm.s32 $0x1B7F0;
	[sflag:s18] =	ssyncadd.s32 $0xFFFFF000  }
0x57: {  	[tilespmem:s14], [sflag:$0x1] =	stream.linear.gather [hbm4b:s6+s3], $0x1000, $0x38;
	[tilespmem:$0x1E700] =	vst v63  }
.LBB2_4:
0x58: {  	v0 =	vld [tilespmem:s24+$0xFFFFFF80];
	_ =	sdelay $0x7  }
0x59: {  	v0 =	vld.idx.msk [tilespmem:v0+s3+$0x0], $0xffff;
	_ =	sdelay $0x4  }
0x5a: {  	[tilespmem:s25+$0xFFFFFF10] =	vst v0  }
0x5b: {  	v0 =	vld [tilespmem:s24+$0xFFFFFF90];
	_ =	sdelay $0x7  }
0x5c: {  	v0 =	vld.idx.msk [tilespmem:v0+s3+$0x0], $0xffff;
	_ =	sdelay $0x4  }
0x5d: {  	[tilespmem:s25+$0xFFFFFF20] =	vst v0  }
0x5e: {  	v0 =	vld [tilespmem:s24+$0xFFFFFFA0];
	_ =	sdelay $0x7  }
0x5f: {  	v0 =	vld.idx.msk [tilespmem:v0+s3+$0x0], $0xffff;
	_ =	sdelay $0x4  }
0x60: {  	[tilespmem:s25+$0xFFFFFF30] =	vst v0  }
0x61: {  	v0 =	vld [tilespmem:s24+$0xFFFFFFB0];
	_ =	sdelay $0x7  }
0x62: {  	v0 =	vld.idx.msk [tilespmem:v0+s3+$0x0], $0xffff;
	_ =	sdelay $0x4  }
0x63: {  	[tilespmem:s25+$0xFFFFFF40] =	vst v0  }
0x64: {  	v0 =	vld [tilespmem:s24+$0xFFFFFFC0];
	_ =	sdelay $0x7  }
0x65: {  	v0 =	vld.idx.msk [tilespmem:v0+s3+$0x0], $0xffff;
	_ =	sdelay $0x4  }
0x66: {  	[tilespmem:s25+$0xFFFFFF50] =	vst v0  }
0x67: {  	v0 =	vld [tilespmem:s24+$0xFFFFFFD0];
	_ =	sdelay $0x7  }
0x68: {  	v0 =	vld.idx.msk [tilespmem:v0+s3+$0x0], $0xffff;
	_ =	sdelay $0x4  }
0x69: {  	[tilespmem:s25+$0xFFFFFF60] =	vst v0  }
0x6a: {  	v0 =	vld [tilespmem:s24+$0xFFFFFFE0];
	_ =	sdelay $0x7  }
0x6b: {  	v0 =	vld.idx.msk [tilespmem:v0+s3+$0x0], $0xffff;
	_ =	sdelay $0x4  }
0x6c: {  	[tilespmem:s25+$0xFFFFFF70] =	vst v0  }
0x6d: {  	v0 =	vld [tilespmem:s24+$0xFFFFFFF0];
	_ =	sdelay $0x7  }
0x6e: {  	v0 =	vld.idx.msk [tilespmem:v0+s3+$0x0], $0xffff;
	_ =	sdelay $0x4  }
0x6f: {  	[tilespmem:s25+$0xFFFFFF80] =	vst v0  }
0x70: {  	v0 =	vld [tilespmem:s24+$0x0];
	_ =	sdelay $0x7  }
0x71: {  	v0 =	vld.idx.msk [tilespmem:v0+s3+$0x0], $0xffff;
	_ =	sdelay $0x4  }
0x72: {  	[tilespmem:s25+$0xFFFFFF90] =	vst v0  }
0x73: {  	v0 =	vld [tilespmem:s24+$0x10];
	_ =	sdelay $0x7  }
0x74: {  	v0 =	vld.idx.msk [tilespmem:v0+s3+$0x0], $0xffff;
	_ =	sdelay $0x4  }
0x75: {  	[tilespmem:s25+$0xFFFFFFA0] =	vst v0  }
0x76: {  	v0 =	vld [tilespmem:s24+$0x20];
	_ =	sdelay $0x7  }
0x77: {  	v0 =	vld.idx.msk [tilespmem:v0+s3+$0x0], $0xffff;
	_ =	sdelay $0x4  }
0x78: {  	[tilespmem:s25+$0xFFFFFFB0] =	vst v0  }
0x79: {  	v0 =	vld [tilespmem:s24+$0x30];
	_ =	sdelay $0x7  }
0x7a: {  	v0 =	vld.idx.msk [tilespmem:v0+s3+$0x0], $0xffff;
	_ =	sdelay $0x4  }
0x7b: {  	[tilespmem:s25+$0xFFFFFFC0] =	vst v0  }
0x7c: {  	v0 =	vld [tilespmem:s24+$0x40];
	_ =	sdelay $0x7  }
0x7d: {  	v0 =	vld.idx.msk [tilespmem:v0+s3+$0x0], $0xffff;
	_ =	sdelay $0x4  }
0x7e: {  	[tilespmem:s25+$0xFFFFFFD0] =	vst v0  }
0x7f: {  	v0 =	vld [tilespmem:s24+$0x50];
	_ =	sdelay $0x7  }
0x80: {  	v0 =	vld.idx.msk [tilespmem:v0+s3+$0x0], $0xffff;
	_ =	sdelay $0x4  }
0x81: {  	[tilespmem:s25+$0xFFFFFFE0] =	vst v0  }
0x82: {  	v0 =	vld [tilespmem:s24+$0x60];
	_ =	sdelay $0x7  }
0x83: {  	v0 =	vld.idx.msk [tilespmem:v0+s3+$0x0], $0xffff;
	_ =	sdelay $0x4  }
0x84: {  	[tilespmem:s25+$0xFFFFFFF0] =	vst v0  }
0x85: {  	v0 =	vld [tilespmem:s24+$0x70];
	_ =	sdelay $0x6  }
0x86: {  	s23 =	sadd.s32 $0x2, s23  }
0x87: {  	p1 =	slt.u32 s23, $0x1E;
	v0 =	vld.idx.msk [tilespmem:v0+s3+$0x0], $0xffff  }
.Ltmp1:
0x88: {  	_ = 	snop;
	(pc) =	sbr.rel @p1 .LBB2_4-.Ltmp1, $2  }
0x89: {  	_ =	sdelay $0x2  }
0x8a: {  	s24 =	sadd.s32 $0x100, s24;
	[tilespmem:s25+$0x0] =	vst v0;
	s25 =	sadd.s32 $0x100, s25  }
0x8b: {  	_ =	swait.ge [sflag:s18], $0x1000  }
0x8c: {  	s23 =	simm.s32 $0xFFFFFFFE;
	[sflag:s18] =	ssyncset.done $0x0  }
0x8d: {  	s24 =	simm.s32 $0x18780;
	s25 =	simm.s32 $0x1C7F0;
	[sflag:s18] =	ssyncadd.s32 $0xFFFFF000  }
0x8e: {  	[tilespmem:s19], [sflag:$0x1] =	stream.linear.gather [hbm4b:s7+s3], $0x1000, $0x38;
	[tilespmem:$0x1E700] =	vst v63  }
.LBB2_6:
0x8f: {  	v0 =	vld [tilespmem:s24+$0xFFFFFF80];
	_ =	sdelay $0x7  }
0x90: {  	v0 =	vld.idx.msk [tilespmem:v0+s3+$0x0], $0xffff;
	_ =	sdelay $0x4  }
0x91: {  	[tilespmem:s25+$0xFFFFFF10] =	vst v0  }
0x92: {  	v0 =	vld [tilespmem:s24+$0xFFFFFF90];
	_ =	sdelay $0x7  }
0x93: {  	v0 =	vld.idx.msk [tilespmem:v0+s3+$0x0], $0xffff;
	_ =	sdelay $0x4  }
0x94: {  	[tilespmem:s25+$0xFFFFFF20] =	vst v0  }
0x95: {  	v0 =	vld [tilespmem:s24+$0xFFFFFFA0];
	_ =	sdelay $0x7  }
0x96: {  	v0 =	vld.idx.msk [tilespmem:v0+s3+$0x0], $0xffff;
	_ =	sdelay $0x4  }
0x97: {  	[tilespmem:s25+$0xFFFFFF30] =	vst v0  }
0x98: {  	v0 =	vld [tilespmem:s24+$0xFFFFFFB0];
	_ =	sdelay $0x7  }
0x99: {  	v0 =	vld.idx.msk [tilespmem:v0+s3+$0x0], $0xffff;
	_ =	sdelay $0x4  }
0x9a: {  	[tilespmem:s25+$0xFFFFFF40] =	vst v0  }
0x9b: {  	v0 =	vld [tilespmem:s24+$0xFFFFFFC0];
	_ =	sdelay $0x7  }
0x9c: {  	v0 =	vld.idx.msk [tilespmem:v0+s3+$0x0], $0xffff;
	_ =	sdelay $0x4  }
0x9d: {  	[tilespmem:s25+$0xFFFFFF50] =	vst v0  }
0x9e: {  	v0 =	vld [tilespmem:s24+$0xFFFFFFD0];
	_ =	sdelay $0x7  }
0x9f: {  	v0 =	vld.idx.msk [tilespmem:v0+s3+$0x0], $0xffff;
	_ =	sdelay $0x4  }
0xa0: {  	[tilespmem:s25+$0xFFFFFF60] =	vst v0  }
0xa1: {  	v0 =	vld [tilespmem:s24+$0xFFFFFFE0];
	_ =	sdelay $0x7  }
0xa2: {  	v0 =	vld.idx.msk [tilespmem:v0+s3+$0x0], $0xffff;
	_ =	sdelay $0x4  }
0xa3: {  	[tilespmem:s25+$0xFFFFFF70] =	vst v0  }
0xa4: {  	v0 =	vld [tilespmem:s24+$0xFFFFFFF0];
	_ =	sdelay $0x7  }
0xa5: {  	v0 =	vld.idx.msk [tilespmem:v0+s3+$0x0], $0xffff;
	_ =	sdelay $0x4  }
0xa6: {  	[tilespmem:s25+$0xFFFFFF80] =	vst v0  }
0xa7: {  	v0 =	vld [tilespmem:s24+$0x0];
	_ =	sdelay $0x7  }
0xa8: {  	v0 =	vld.idx.msk [tilespmem:v0+s3+$0x0], $0xffff;
	_ =	sdelay $0x4  }
0xa9: {  	[tilespmem:s25+$0xFFFFFF90] =	vst v0  }
0xaa: {  	v0 =	vld [tilespmem:s24+$0x10];
	_ =	sdelay $0x7  }
0xab: {  	v0 =	vld.idx.msk [tilespmem:v0+s3+$0x0], $0xffff;
	_ =	sdelay $0x4  }
0xac: {  	[tilespmem:s25+$0xFFFFFFA0] =	vst v0  }
0xad: {  	v0 =	vld [tilespmem:s24+$0x20];
	_ =	sdelay $0x7  }
0xae: {  	v0 =	vld.idx.msk [tilespmem:v0+s3+$0x0], $0xffff;
	_ =	sdelay $0x4  }
0xaf: {  	[tilespmem:s25+$0xFFFFFFB0] =	vst v0  }
0xb0: {  	v0 =	vld [tilespmem:s24+$0x30];
	_ =	sdelay $0x7  }
0xb1: {  	v0 =	vld.idx.msk [tilespmem:v0+s3+$0x0], $0xffff;
	_ =	sdelay $0x4  }
0xb2: {  	[tilespmem:s25+$0xFFFFFFC0] =	vst v0  }
0xb3: {  	v0 =	vld [tilespmem:s24+$0x40];
	_ =	sdelay $0x7  }
0xb4: {  	v0 =	vld.idx.msk [tilespmem:v0+s3+$0x0], $0xffff;
	_ =	sdelay $0x4  }
0xb5: {  	[tilespmem:s25+$0xFFFFFFD0] =	vst v0  }
0xb6: {  	v0 =	vld [tilespmem:s24+$0x50];
	_ =	sdelay $0x7  }
0xb7: {  	v0 =	vld.idx.msk [tilespmem:v0+s3+$0x0], $0xffff;
	_ =	sdelay $0x4  }
0xb8: {  	[tilespmem:s25+$0xFFFFFFE0] =	vst v0  }
0xb9: {  	v0 =	vld [tilespmem:s24+$0x60];
	_ =	sdelay $0x7  }
0xba: {  	v0 =	vld.idx.msk [tilespmem:v0+s3+$0x0], $0xffff;
	_ =	sdelay $0x4  }
0xbb: {  	[tilespmem:s25+$0xFFFFFFF0] =	vst v0  }
0xbc: {  	v0 =	vld [tilespmem:s24+$0x70];
	_ =	sdelay $0x6  }
0xbd: {  	s23 =	sadd.s32 $0x2, s23  }
0xbe: {  	p1 =	slt.u32 s23, $0x1E;
	v0 =	vld.idx.msk [tilespmem:v0+s3+$0x0], $0xffff  }
.Ltmp2:
0xbf: {  	_ = 	snop;
	(pc) =	sbr.rel @p1 .LBB2_6-.Ltmp2, $2  }
0xc0: {  	_ =	sdelay $0x2  }
0xc1: {  	s24 =	sadd.s32 $0x100, s24;
	[tilespmem:s25+$0x0] =	vst v0;
	s25 =	sadd.s32 $0x100, s25  }
0xc2: {  	_ =	swait.ge [sflag:s18], $0x1000  }
0xc3: {  	s23 =	simm.s32 $0xFFFFFFFE;
	[sflag:s18] =	ssyncset.done $0x0  }
0xc4: {  	s24 =	simm.s32 $0x19780;
	s25 =	simm.s32 $0x1D7F0;
	[sflag:s18] =	ssyncadd.s32 $0xFFFFF000  }
.LBB2_8:
0xc5: {  	v0 =	vld [tilespmem:s24+$0xFFFFFF80];
	_ =	sdelay $0x7  }
0xc6: {  	v0 =	vld.idx.msk [tilespmem:v0+s3+$0x0], $0xffff;
	_ =	sdelay $0x4  }
0xc7: {  	[tilespmem:s25+$0xFFFFFF10] =	vst v0  }
0xc8: {  	v0 =	vld [tilespmem:s24+$0xFFFFFF90];
	_ =	sdelay $0x7  }
0xc9: {  	v0 =	vld.idx.msk [tilespmem:v0+s3+$0x0], $0xffff;
	_ =	sdelay $0x4  }
0xca: {  	[tilespmem:s25+$0xFFFFFF20] =	vst v0  }
0xcb: {  	v0 =	vld [tilespmem:s24+$0xFFFFFFA0];
	_ =	sdelay $0x7  }
0xcc: {  	v0 =	vld.idx.msk [tilespmem:v0+s3+$0x0], $0xffff;
	_ =	sdelay $0x4  }
0xcd: {  	[tilespmem:s25+$0xFFFFFF30] =	vst v0  }
0xce: {  	v0 =	vld [tilespmem:s24+$0xFFFFFFB0];
	_ =	sdelay $0x7  }
0xcf: {  	v0 =	vld.idx.msk [tilespmem:v0+s3+$0x0], $0xffff;
	_ =	sdelay $0x4  }
0xd0: {  	[tilespmem:s25+$0xFFFFFF40] =	vst v0  }
0xd1: {  	v0 =	vld [tilespmem:s24+$0xFFFFFFC0];
	_ =	sdelay $0x7  }
0xd2: {  	v0 =	vld.idx.msk [tilespmem:v0+s3+$0x0], $0xffff;
	_ =	sdelay $0x4  }
0xd3: {  	[tilespmem:s25+$0xFFFFFF50] =	vst v0  }
0xd4: {  	v0 =	vld [tilespmem:s24+$0xFFFFFFD0];
	_ =	sdelay $0x7  }
0xd5: {  	v0 =	vld.idx.msk [tilespmem:v0+s3+$0x0], $0xffff;
	_ =	sdelay $0x4  }
0xd6: {  	[tilespmem:s25+$0xFFFFFF60] =	vst v0  }
0xd7: {  	v0 =	vld [tilespmem:s24+$0xFFFFFFE0];
	_ =	sdelay $0x7  }
0xd8: {  	v0 =	vld.idx.msk [tilespmem:v0+s3+$0x0], $0xffff;
	_ =	sdelay $0x4  }
0xd9: {  	[tilespmem:s25+$0xFFFFFF70] =	vst v0  }
0xda: {  	v0 =	vld [tilespmem:s24+$0xFFFFFFF0];
	_ =	sdelay $0x7  }
0xdb: {  	v0 =	vld.idx.msk [tilespmem:v0+s3+$0x0], $0xffff;
	_ =	sdelay $0x4  }
0xdc: {  	[tilespmem:s25+$0xFFFFFF80] =	vst v0  }
0xdd: {  	v0 =	vld [tilespmem:s24+$0x0];
	_ =	sdelay $0x7  }
0xde: {  	v0 =	vld.idx.msk [tilespmem:v0+s3+$0x0], $0xffff;
	_ =	sdelay $0x4  }
0xdf: {  	[tilespmem:s25+$0xFFFFFF90] =	vst v0  }
0xe0: {  	v0 =	vld [tilespmem:s24+$0x10];
	_ =	sdelay $0x7  }
0xe1: {  	v0 =	vld.idx.msk [tilespmem:v0+s3+$0x0], $0xffff;
	_ =	sdelay $0x4  }
0xe2: {  	[tilespmem:s25+$0xFFFFFFA0] =	vst v0  }
0xe3: {  	v0 =	vld [tilespmem:s24+$0x20];
	_ =	sdelay $0x7  }
0xe4: {  	v0 =	vld.idx.msk [tilespmem:v0+s3+$0x0], $0xffff;
	_ =	sdelay $0x4  }
0xe5: {  	[tilespmem:s25+$0xFFFFFFB0] =	vst v0  }
0xe6: {  	v0 =	vld [tilespmem:s24+$0x30];
	_ =	sdelay $0x7  }
0xe7: {  	v0 =	vld.idx.msk [tilespmem:v0+s3+$0x0], $0xffff;
	_ =	sdelay $0x4  }
0xe8: {  	[tilespmem:s25+$0xFFFFFFC0] =	vst v0  }
0xe9: {  	v0 =	vld [tilespmem:s24+$0x40];
	_ =	sdelay $0x7  }
0xea: {  	v0 =	vld.idx.msk [tilespmem:v0+s3+$0x0], $0xffff;
	_ =	sdelay $0x4  }
0xeb: {  	[tilespmem:s25+$0xFFFFFFD0] =	vst v0  }
0xec: {  	v0 =	vld [tilespmem:s24+$0x50];
	_ =	sdelay $0x7  }
0xed: {  	v0 =	vld.idx.msk [tilespmem:v0+s3+$0x0], $0xffff;
	_ =	sdelay $0x4  }
0xee: {  	[tilespmem:s25+$0xFFFFFFE0] =	vst v0  }
0xef: {  	v0 =	vld [tilespmem:s24+$0x60];
	_ =	sdelay $0x7  }
0xf0: {  	v0 =	vld.idx.msk [tilespmem:v0+s3+$0x0], $0xffff;
	_ =	sdelay $0x4  }
0xf1: {  	[tilespmem:s25+$0xFFFFFFF0] =	vst v0  }
0xf2: {  	v0 =	vld [tilespmem:s24+$0x70];
	_ =	sdelay $0x6  }
0xf3: {  	s23 =	sadd.s32 $0x2, s23  }
0xf4: {  	p1 =	slt.u32 s23, $0x1E;
	v0 =	vld.idx.msk [tilespmem:v0+s3+$0x0], $0xffff  }
.Ltmp3:
0xf5: {  	_ = 	snop;
	(pc) =	sbr.rel @p1 .LBB2_8-.Ltmp3, $2  }
0xf6: {  	_ =	sdelay $0x2  }
0xf7: {  	s24 =	sadd.s32 $0x100, s24;
	[tilespmem:s25+$0x0] =	vst v0;
	s25 =	sadd.s32 $0x100, s25  }
0xf8: {  	[hbm4b:s8+s16] =	stream.strided.scatter [tilespmem:s21], [sflag:$0x2], $0x4000, s20, s16, $0x38;
	[tilespmem:$0x1E700] =	vst v63  }
0xf9: {  	_ =	swait.ge [sflag:s17], $0x4000  }
0xfa: {  	[sflag:s17] =	ssyncset.done $0x0  }
0xfb: {  	[sflag:s17] =	ssyncadd.s32 $0xFFFFC000  }
0xfc: {  	[tilespmem:s14], [sflag:$0x1] =	stream.linear.gather [hbm4b:s1+s3], $0x1000, $0x38;
	[tilespmem:$0x1E700] =	vst v63  }
0xfd: {  	_ = 	snop  }
0xfe: {  	[tilespmem:s3], [sflag:$0x2] =	stream.strided.gather [hbm4b:s9+s15], $0x18700, s16, s15, $0x38;
	[tilespmem:$0x1E700] =	vst v63  }
0xff: {  	_ =	swait.ge [sflag:s17], $0x18700  }
0x100: {  	[sflag:s17] =	ssyncset.done $0x0  }
0x101: {  	[sflag:s17] =	ssyncadd.s32 $0xFFFE7900  }
0x102: {  	_ =	swait.ge [sflag:s18], $0x1000  }
0x103: {  	s23 =	simm.s32 $0xFFFFFFFE;
	[sflag:s18] =	ssyncset.done $0x0  }
0x104: {  	s24 =	simm.s32 $0x1A780;
	s25 =	simm.s32 $0x18780;
	[sflag:s18] =	ssyncadd.s32 $0xFFFFF000  }
0x105: {  	[tilespmem:s19], [sflag:$0x1] =	stream.linear.gather [hbm4b:s5+s3], $0x1000, $0x38;
	[tilespmem:$0x1E700] =	vst v63  }
.LBB2_10:
0x106: {  	v0 =	vld [tilespmem:s25+$0xFFFFFF80];
	_ =	sdelay $0x7  }
0x107: {  	v0 =	vld.idx.msk [tilespmem:v0+s3+$0x0], $0xffff;
	_ =	sdelay $0x4  }
0x108: {  	[tilespmem:s24+$0xFFFFFF80] =	vst v0  }
0x109: {  	v0 =	vld [tilespmem:s25+$0xFFFFFF90];
	_ =	sdelay $0x7  }
0x10a: {  	v0 =	vld.idx.msk [tilespmem:v0+s3+$0x0], $0xffff;
	_ =	sdelay $0x4  }
0x10b: {  	[tilespmem:s24+$0xFFFFFF90] =	vst v0  }
0x10c: {  	v0 =	vld [tilespmem:s25+$0xFFFFFFA0];
	_ =	sdelay $0x7  }
0x10d: {  	v0 =	vld.idx.msk [tilespmem:v0+s3+$0x0], $0xffff;
	_ =	sdelay $0x4  }
0x10e: {  	[tilespmem:s24+$0xFFFFFFA0] =	vst v0  }
0x10f: {  	v0 =	vld [tilespmem:s25+$0xFFFFFFB0];
	_ =	sdelay $0x7  }
0x110: {  	v0 =	vld.idx.msk [tilespmem:v0+s3+$0x0], $0xffff;
	_ =	sdelay $0x4  }
0x111: {  	[tilespmem:s24+$0xFFFFFFB0] =	vst v0  }
0x112: {  	v0 =	vld [tilespmem:s25+$0xFFFFFFC0];
	_ =	sdelay $0x7  }
0x113: {  	v0 =	vld.idx.msk [tilespmem:v0+s3+$0x0], $0xffff;
	_ =	sdelay $0x4  }
0x114: {  	[tilespmem:s24+$0xFFFFFFC0] =	vst v0  }
0x115: {  	v0 =	vld [tilespmem:s25+$0xFFFFFFD0];
	_ =	sdelay $0x7  }
0x116: {  	v0 =	vld.idx.msk [tilespmem:v0+s3+$0x0], $0xffff;
	_ =	sdelay $0x4  }
0x117: {  	[tilespmem:s24+$0xFFFFFFD0] =	vst v0  }
0x118: {  	v0 =	vld [tilespmem:s25+$0xFFFFFFE0];
	_ =	sdelay $0x7  }
0x119: {  	v0 =	vld.idx.msk [tilespmem:v0+s3+$0x0], $0xffff;
	_ =	sdelay $0x4  }
0x11a: {  	[tilespmem:s24+$0xFFFFFFE0] =	vst v0  }
0x11b: {  	v0 =	vld [tilespmem:s25+$0xFFFFFFF0];
	_ =	sdelay $0x7  }
0x11c: {  	v0 =	vld.idx.msk [tilespmem:v0+s3+$0x0], $0xffff;
	_ =	sdelay $0x4  }
0x11d: {  	[tilespmem:s24+$0xFFFFFFF0] =	vst v0  }
0x11e: {  	v0 =	vld [tilespmem:s25+$0x0];
	_ =	sdelay $0x7  }
0x11f: {  	v0 =	vld.idx.msk [tilespmem:v0+s3+$0x0], $0xffff;
	_ =	sdelay $0x4  }
0x120: {  	[tilespmem:s24+$0x0] =	vst v0  }
0x121: {  	v0 =	vld [tilespmem:s25+$0x10];
	_ =	sdelay $0x7  }
0x122: {  	v0 =	vld.idx.msk [tilespmem:v0+s3+$0x0], $0xffff;
	_ =	sdelay $0x4  }
0x123: {  	[tilespmem:s24+$0x10] =	vst v0  }
0x124: {  	v0 =	vld [tilespmem:s25+$0x20];
	_ =	sdelay $0x7  }
0x125: {  	v0 =	vld.idx.msk [tilespmem:v0+s3+$0x0], $0xffff;
	_ =	sdelay $0x4  }
0x126: {  	[tilespmem:s24+$0x20] =	vst v0  }
0x127: {  	v0 =	vld [tilespmem:s25+$0x30];
	_ =	sdelay $0x7  }
0x128: {  	v0 =	vld.idx.msk [tilespmem:v0+s3+$0x0], $0xffff;
	_ =	sdelay $0x4  }
0x129: {  	[tilespmem:s24+$0x30] =	vst v0  }
0x12a: {  	v0 =	vld [tilespmem:s25+$0x40];
	_ =	sdelay $0x7  }
0x12b: {  	v0 =	vld.idx.msk [tilespmem:v0+s3+$0x0], $0xffff;
	_ =	sdelay $0x4  }
0x12c: {  	[tilespmem:s24+$0x40] =	vst v0  }
0x12d: {  	v0 =	vld [tilespmem:s25+$0x50];
	_ =	sdelay $0x7  }
0x12e: {  	v0 =	vld.idx.msk [tilespmem:v0+s3+$0x0], $0xffff;
	_ =	sdelay $0x4  }
0x12f: {  	[tilespmem:s24+$0x50] =	vst v0  }
0x130: {  	v0 =	vld [tilespmem:s25+$0x60];
	_ =	sdelay $0x7  }
0x131: {  	v0 =	vld.idx.msk [tilespmem:v0+s3+$0x0], $0xffff;
	_ =	sdelay $0x4  }
0x132: {  	[tilespmem:s24+$0x60] =	vst v0  }
0x133: {  	v0 =	vld [tilespmem:s25+$0x70];
	_ =	sdelay $0x6  }
0x134: {  	s23 =	sadd.s32 $0x2, s23  }
0x135: {  	p1 =	slt.u32 s23, $0x1E;
	v0 =	vld.idx.msk [tilespmem:v0+s3+$0x0], $0xffff  }
.Ltmp4:
0x136: {  	_ = 	snop;
	(pc) =	sbr.rel @p1 .LBB2_10-.Ltmp4, $2  }
0x137: {  	_ =	sdelay $0x2  }
0x138: {  	s25 =	sadd.s32 $0x100, s25;
	[tilespmem:s24+$0x70] =	vst v0;
	s24 =	sadd.s32 $0x100, s24  }
0x139: {  	_ =	swait.ge [sflag:s18], $0x1000  }
0x13a: {  	s23 =	simm.s32 $0xFFFFFFFE;
	[sflag:s18] =	ssyncset.done $0x0  }
0x13b: {  	s24 =	simm.s32 $0x19780;
	s25 =	simm.s32 $0x1B7F0;
	[sflag:s18] =	ssyncadd.s32 $0xFFFFF000  }
0x13c: {  	[tilespmem:s14], [sflag:$0x1] =	stream.linear.gather [hbm4b:s6+s3], $0x1000, $0x38;
	[tilespmem:$0x1E700] =	vst v63  }
.LBB2_12:
0x13d: {  	v0 =	vld [tilespmem:s24+$0xFFFFFF80];
	_ =	sdelay $0x7  }
0x13e: {  	v0 =	vld.idx.msk [tilespmem:v0+s3+$0x0], $0xffff;
	_ =	sdelay $0x4  }
0x13f: {  	[tilespmem:s25+$0xFFFFFF10] =	vst v0  }
0x140: {  	v0 =	vld [tilespmem:s24+$0xFFFFFF90];
	_ =	sdelay $0x7  }
0x141: {  	v0 =	vld.idx.msk [tilespmem:v0+s3+$0x0], $0xffff;
	_ =	sdelay $0x4  }
0x142: {  	[tilespmem:s25+$0xFFFFFF20] =	vst v0  }
0x143: {  	v0 =	vld [tilespmem:s24+$0xFFFFFFA0];
	_ =	sdelay $0x7  }
0x144: {  	v0 =	vld.idx.msk [tilespmem:v0+s3+$0x0], $0xffff;
	_ =	sdelay $0x4  }
0x145: {  	[tilespmem:s25+$0xFFFFFF30] =	vst v0  }
0x146: {  	v0 =	vld [tilespmem:s24+$0xFFFFFFB0];
	_ =	sdelay $0x7  }
0x147: {  	v0 =	vld.idx.msk [tilespmem:v0+s3+$0x0], $0xffff;
	_ =	sdelay $0x4  }
0x148: {  	[tilespmem:s25+$0xFFFFFF40] =	vst v0  }
0x149: {  	v0 =	vld [tilespmem:s24+$0xFFFFFFC0];
	_ =	sdelay $0x7  }
0x14a: {  	v0 =	vld.idx.msk [tilespmem:v0+s3+$0x0], $0xffff;
	_ =	sdelay $0x4  }
0x14b: {  	[tilespmem:s25+$0xFFFFFF50] =	vst v0  }
0x14c: {  	v0 =	vld [tilespmem:s24+$0xFFFFFFD0];
	_ =	sdelay $0x7  }
0x14d: {  	v0 =	vld.idx.msk [tilespmem:v0+s3+$0x0], $0xffff;
	_ =	sdelay $0x4  }
0x14e: {  	[tilespmem:s25+$0xFFFFFF60] =	vst v0  }
0x14f: {  	v0 =	vld [tilespmem:s24+$0xFFFFFFE0];
	_ =	sdelay $0x7  }
0x150: {  	v0 =	vld.idx.msk [tilespmem:v0+s3+$0x0], $0xffff;
	_ =	sdelay $0x4  }
0x151: {  	[tilespmem:s25+$0xFFFFFF70] =	vst v0  }
0x152: {  	v0 =	vld [tilespmem:s24+$0xFFFFFFF0];
	_ =	sdelay $0x7  }
0x153: {  	v0 =	vld.idx.msk [tilespmem:v0+s3+$0x0], $0xffff;
	_ =	sdelay $0x4  }
0x154: {  	[tilespmem:s25+$0xFFFFFF80] =	vst v0  }
0x155: {  	v0 =	vld [tilespmem:s24+$0x0];
	_ =	sdelay $0x7  }
0x156: {  	v0 =	vld.idx.msk [tilespmem:v0+s3+$0x0], $0xffff;
	_ =	sdelay $0x4  }
0x157: {  	[tilespmem:s25+$0xFFFFFF90] =	vst v0  }
0x158: {  	v0 =	vld [tilespmem:s24+$0x10];
	_ =	sdelay $0x7  }
0x159: {  	v0 =	vld.idx.msk [tilespmem:v0+s3+$0x0], $0xffff;
	_ =	sdelay $0x4  }
0x15a: {  	[tilespmem:s25+$0xFFFFFFA0] =	vst v0  }
0x15b: {  	v0 =	vld [tilespmem:s24+$0x20];
	_ =	sdelay $0x7  }
0x15c: {  	v0 =	vld.idx.msk [tilespmem:v0+s3+$0x0], $0xffff;
	_ =	sdelay $0x4  }
0x15d: {  	[tilespmem:s25+$0xFFFFFFB0] =	vst v0  }
0x15e: {  	v0 =	vld [tilespmem:s24+$0x30];
	_ =	sdelay $0x7  }
0x15f: {  	v0 =	vld.idx.msk [tilespmem:v0+s3+$0x0], $0xffff;
	_ =	sdelay $0x4  }
0x160: {  	[tilespmem:s25+$0xFFFFFFC0] =	vst v0  }
0x161: {  	v0 =	vld [tilespmem:s24+$0x40];
	_ =	sdelay $0x7  }
0x162: {  	v0 =	vld.idx.msk [tilespmem:v0+s3+$0x0], $0xffff;
	_ =	sdelay $0x4  }
0x163: {  	[tilespmem:s25+$0xFFFFFFD0] =	vst v0  }
0x164: {  	v0 =	vld [tilespmem:s24+$0x50];
	_ =	sdelay $0x7  }
0x165: {  	v0 =	vld.idx.msk [tilespmem:v0+s3+$0x0], $0xffff;
	_ =	sdelay $0x4  }
0x166: {  	[tilespmem:s25+$0xFFFFFFE0] =	vst v0  }
0x167: {  	v0 =	vld [tilespmem:s24+$0x60];
	_ =	sdelay $0x7  }
0x168: {  	v0 =	vld.idx.msk [tilespmem:v0+s3+$0x0], $0xffff;
	_ =	sdelay $0x4  }
0x169: {  	[tilespmem:s25+$0xFFFFFFF0] =	vst v0  }
0x16a: {  	v0 =	vld [tilespmem:s24+$0x70];
	_ =	sdelay $0x6  }
0x16b: {  	s23 =	sadd.s32 $0x2, s23  }
0x16c: {  	p1 =	slt.u32 s23, $0x1E;
	v0 =	vld.idx.msk [tilespmem:v0+s3+$0x0], $0xffff  }
.Ltmp5:
0x16d: {  	_ = 	snop;
	(pc) =	sbr.rel @p1 .LBB2_12-.Ltmp5, $2  }
0x16e: {  	_ =	sdelay $0x2  }
0x16f: {  	s24 =	sadd.s32 $0x100, s24;
	[tilespmem:s25+$0x0] =	vst v0;
	s25 =	sadd.s32 $0x100, s25  }
0x170: {  	_ =	swait.ge [sflag:s18], $0x1000  }
0x171: {  	s23 =	simm.s32 $0xFFFFFFFE;
	[sflag:s18] =	ssyncset.done $0x0  }
0x172: {  	s24 =	simm.s32 $0x18780;
	s25 =	simm.s32 $0x1C7F0;
	[sflag:s18] =	ssyncadd.s32 $0xFFFFF000  }
0x173: {  	[tilespmem:s19], [sflag:$0x1] =	stream.linear.gather [hbm4b:s7+s3], $0x1000, $0x38;
	[tilespmem:$0x1E700] =	vst v63  }
.LBB2_14:
0x174: {  	v0 =	vld [tilespmem:s24+$0xFFFFFF80];
	_ =	sdelay $0x7  }
0x175: {  	v0 =	vld.idx.msk [tilespmem:v0+s3+$0x0], $0xffff;
	_ =	sdelay $0x4  }
0x176: {  	[tilespmem:s25+$0xFFFFFF10] =	vst v0  }
0x177: {  	v0 =	vld [tilespmem:s24+$0xFFFFFF90];
	_ =	sdelay $0x7  }
0x178: {  	v0 =	vld.idx.msk [tilespmem:v0+s3+$0x0], $0xffff;
	_ =	sdelay $0x4  }
0x179: {  	[tilespmem:s25+$0xFFFFFF20] =	vst v0  }
0x17a: {  	v0 =	vld [tilespmem:s24+$0xFFFFFFA0];
	_ =	sdelay $0x7  }
0x17b: {  	v0 =	vld.idx.msk [tilespmem:v0+s3+$0x0], $0xffff;
	_ =	sdelay $0x4  }
0x17c: {  	[tilespmem:s25+$0xFFFFFF30] =	vst v0  }
0x17d: {  	v0 =	vld [tilespmem:s24+$0xFFFFFFB0];
	_ =	sdelay $0x7  }
0x17e: {  	v0 =	vld.idx.msk [tilespmem:v0+s3+$0x0], $0xffff;
	_ =	sdelay $0x4  }
0x17f: {  	[tilespmem:s25+$0xFFFFFF40] =	vst v0  }
0x180: {  	v0 =	vld [tilespmem:s24+$0xFFFFFFC0];
	_ =	sdelay $0x7  }
0x181: {  	v0 =	vld.idx.msk [tilespmem:v0+s3+$0x0], $0xffff;
	_ =	sdelay $0x4  }
0x182: {  	[tilespmem:s25+$0xFFFFFF50] =	vst v0  }
0x183: {  	v0 =	vld [tilespmem:s24+$0xFFFFFFD0];
	_ =	sdelay $0x7  }
0x184: {  	v0 =	vld.idx.msk [tilespmem:v0+s3+$0x0], $0xffff;
	_ =	sdelay $0x4  }
0x185: {  	[tilespmem:s25+$0xFFFFFF60] =	vst v0  }
0x186: {  	v0 =	vld [tilespmem:s24+$0xFFFFFFE0];
	_ =	sdelay $0x7  }
0x187: {  	v0 =	vld.idx.msk [tilespmem:v0+s3+$0x0], $0xffff;
	_ =	sdelay $0x4  }
0x188: {  	[tilespmem:s25+$0xFFFFFF70] =	vst v0  }
0x189: {  	v0 =	vld [tilespmem:s24+$0xFFFFFFF0];
	_ =	sdelay $0x7  }
0x18a: {  	v0 =	vld.idx.msk [tilespmem:v0+s3+$0x0], $0xffff;
	_ =	sdelay $0x4  }
0x18b: {  	[tilespmem:s25+$0xFFFFFF80] =	vst v0  }
0x18c: {  	v0 =	vld [tilespmem:s24+$0x0];
	_ =	sdelay $0x7  }
0x18d: {  	v0 =	vld.idx.msk [tilespmem:v0+s3+$0x0], $0xffff;
	_ =	sdelay $0x4  }
0x18e: {  	[tilespmem:s25+$0xFFFFFF90] =	vst v0  }
0x18f: {  	v0 =	vld [tilespmem:s24+$0x10];
	_ =	sdelay $0x7  }
0x190: {  	v0 =	vld.idx.msk [tilespmem:v0+s3+$0x0], $0xffff;
	_ =	sdelay $0x4  }
0x191: {  	[tilespmem:s25+$0xFFFFFFA0] =	vst v0  }
0x192: {  	v0 =	vld [tilespmem:s24+$0x20];
	_ =	sdelay $0x7  }
0x193: {  	v0 =	vld.idx.msk [tilespmem:v0+s3+$0x0], $0xffff;
	_ =	sdelay $0x4  }
0x194: {  	[tilespmem:s25+$0xFFFFFFB0] =	vst v0  }
0x195: {  	v0 =	vld [tilespmem:s24+$0x30];
	_ =	sdelay $0x7  }
0x196: {  	v0 =	vld.idx.msk [tilespmem:v0+s3+$0x0], $0xffff;
	_ =	sdelay $0x4  }
0x197: {  	[tilespmem:s25+$0xFFFFFFC0] =	vst v0  }
0x198: {  	v0 =	vld [tilespmem:s24+$0x40];
	_ =	sdelay $0x7  }
0x199: {  	v0 =	vld.idx.msk [tilespmem:v0+s3+$0x0], $0xffff;
	_ =	sdelay $0x4  }
0x19a: {  	[tilespmem:s25+$0xFFFFFFD0] =	vst v0  }
0x19b: {  	v0 =	vld [tilespmem:s24+$0x50];
	_ =	sdelay $0x7  }
0x19c: {  	v0 =	vld.idx.msk [tilespmem:v0+s3+$0x0], $0xffff;
	_ =	sdelay $0x4  }
0x19d: {  	[tilespmem:s25+$0xFFFFFFE0] =	vst v0  }
0x19e: {  	v0 =	vld [tilespmem:s24+$0x60];
	_ =	sdelay $0x7  }
0x19f: {  	v0 =	vld.idx.msk [tilespmem:v0+s3+$0x0], $0xffff;
	_ =	sdelay $0x4  }
0x1a0: {  	[tilespmem:s25+$0xFFFFFFF0] =	vst v0  }
0x1a1: {  	v0 =	vld [tilespmem:s24+$0x70];
	_ =	sdelay $0x6  }
0x1a2: {  	s23 =	sadd.s32 $0x2, s23  }
0x1a3: {  	p1 =	slt.u32 s23, $0x1E;
	v0 =	vld.idx.msk [tilespmem:v0+s3+$0x0], $0xffff  }
.Ltmp6:
0x1a4: {  	_ = 	snop;
	(pc) =	sbr.rel @p1 .LBB2_14-.Ltmp6, $2  }
0x1a5: {  	_ =	sdelay $0x2  }
0x1a6: {  	s24 =	sadd.s32 $0x100, s24;
	[tilespmem:s25+$0x0] =	vst v0;
	s25 =	sadd.s32 $0x100, s25  }
0x1a7: {  	_ =	swait.ge [sflag:s18], $0x1000  }
0x1a8: {  	s23 =	simm.s32 $0xFFFFFFFE;
	[sflag:s18] =	ssyncset.done $0x0  }
0x1a9: {  	s24 =	simm.s32 $0x19780;
	s25 =	simm.s32 $0x1D7F0;
	[sflag:s18] =	ssyncadd.s32 $0xFFFFF000  }
.LBB2_16:
0x1aa: {  	v0 =	vld [tilespmem:s24+$0xFFFFFF80];
	_ =	sdelay $0x7  }
0x1ab: {  	v0 =	vld.idx.msk [tilespmem:v0+s3+$0x0], $0xffff;
	_ =	sdelay $0x4  }
0x1ac: {  	[tilespmem:s25+$0xFFFFFF10] =	vst v0  }
0x1ad: {  	v0 =	vld [tilespmem:s24+$0xFFFFFF90];
	_ =	sdelay $0x7  }
0x1ae: {  	v0 =	vld.idx.msk [tilespmem:v0+s3+$0x0], $0xffff;
	_ =	sdelay $0x4  }
0x1af: {  	[tilespmem:s25+$0xFFFFFF20] =	vst v0  }
0x1b0: {  	v0 =	vld [tilespmem:s24+$0xFFFFFFA0];
	_ =	sdelay $0x7  }
0x1b1: {  	v0 =	vld.idx.msk [tilespmem:v0+s3+$0x0], $0xffff;
	_ =	sdelay $0x4  }
0x1b2: {  	[tilespmem:s25+$0xFFFFFF30] =	vst v0  }
0x1b3: {  	v0 =	vld [tilespmem:s24+$0xFFFFFFB0];
	_ =	sdelay $0x7  }
0x1b4: {  	v0 =	vld.idx.msk [tilespmem:v0+s3+$0x0], $0xffff;
	_ =	sdelay $0x4  }
0x1b5: {  	[tilespmem:s25+$0xFFFFFF40] =	vst v0  }
0x1b6: {  	v0 =	vld [tilespmem:s24+$0xFFFFFFC0];
	_ =	sdelay $0x7  }
0x1b7: {  	v0 =	vld.idx.msk [tilespmem:v0+s3+$0x0], $0xffff;
	_ =	sdelay $0x4  }
0x1b8: {  	[tilespmem:s25+$0xFFFFFF50] =	vst v0  }
0x1b9: {  	v0 =	vld [tilespmem:s24+$0xFFFFFFD0];
	_ =	sdelay $0x7  }
0x1ba: {  	v0 =	vld.idx.msk [tilespmem:v0+s3+$0x0], $0xffff;
	_ =	sdelay $0x4  }
0x1bb: {  	[tilespmem:s25+$0xFFFFFF60] =	vst v0  }
0x1bc: {  	v0 =	vld [tilespmem:s24+$0xFFFFFFE0];
	_ =	sdelay $0x7  }
0x1bd: {  	v0 =	vld.idx.msk [tilespmem:v0+s3+$0x0], $0xffff;
	_ =	sdelay $0x4  }
0x1be: {  	[tilespmem:s25+$0xFFFFFF70] =	vst v0  }
0x1bf: {  	v0 =	vld [tilespmem:s24+$0xFFFFFFF0];
	_ =	sdelay $0x7  }
0x1c0: {  	v0 =	vld.idx.msk [tilespmem:v0+s3+$0x0], $0xffff;
	_ =	sdelay $0x4  }
0x1c1: {  	[tilespmem:s25+$0xFFFFFF80] =	vst v0  }
0x1c2: {  	v0 =	vld [tilespmem:s24+$0x0];
	_ =	sdelay $0x7  }
0x1c3: {  	v0 =	vld.idx.msk [tilespmem:v0+s3+$0x0], $0xffff;
	_ =	sdelay $0x4  }
0x1c4: {  	[tilespmem:s25+$0xFFFFFF90] =	vst v0  }
0x1c5: {  	v0 =	vld [tilespmem:s24+$0x10];
	_ =	sdelay $0x7  }
0x1c6: {  	v0 =	vld.idx.msk [tilespmem:v0+s3+$0x0], $0xffff;
	_ =	sdelay $0x4  }
0x1c7: {  	[tilespmem:s25+$0xFFFFFFA0] =	vst v0  }
0x1c8: {  	v0 =	vld [tilespmem:s24+$0x20];
	_ =	sdelay $0x7  }
0x1c9: {  	v0 =	vld.idx.msk [tilespmem:v0+s3+$0x0], $0xffff;
	_ =	sdelay $0x4  }
0x1ca: {  	[tilespmem:s25+$0xFFFFFFB0] =	vst v0  }
0x1cb: {  	v0 =	vld [tilespmem:s24+$0x30];
	_ =	sdelay $0x7  }
0x1cc: {  	v0 =	vld.idx.msk [tilespmem:v0+s3+$0x0], $0xffff;
	_ =	sdelay $0x4  }
0x1cd: {  	[tilespmem:s25+$0xFFFFFFC0] =	vst v0  }
0x1ce: {  	v0 =	vld [tilespmem:s24+$0x40];
	_ =	sdelay $0x7  }
0x1cf: {  	v0 =	vld.idx.msk [tilespmem:v0+s3+$0x0], $0xffff;
	_ =	sdelay $0x4  }
0x1d0: {  	[tilespmem:s25+$0xFFFFFFD0] =	vst v0  }
0x1d1: {  	v0 =	vld [tilespmem:s24+$0x50];
	_ =	sdelay $0x7  }
0x1d2: {  	v0 =	vld.idx.msk [tilespmem:v0+s3+$0x0], $0xffff;
	_ =	sdelay $0x4  }
0x1d3: {  	[tilespmem:s25+$0xFFFFFFE0] =	vst v0  }
0x1d4: {  	v0 =	vld [tilespmem:s24+$0x60];
	_ =	sdelay $0x7  }
0x1d5: {  	v0 =	vld.idx.msk [tilespmem:v0+s3+$0x0], $0xffff;
	_ =	sdelay $0x4  }
0x1d6: {  	[tilespmem:s25+$0xFFFFFFF0] =	vst v0  }
0x1d7: {  	v0 =	vld [tilespmem:s24+$0x70];
	_ =	sdelay $0x6  }
0x1d8: {  	s23 =	sadd.s32 $0x2, s23  }
0x1d9: {  	p1 =	slt.u32 s23, $0x1E;
	v0 =	vld.idx.msk [tilespmem:v0+s3+$0x0], $0xffff  }
.Ltmp7:
0x1da: {  	_ = 	snop;
	(pc) =	sbr.rel @p1 .LBB2_16-.Ltmp7, $2  }
0x1db: {  	_ =	sdelay $0x2  }
0x1dc: {  	s24 =	sadd.s32 $0x100, s24;
	[tilespmem:s25+$0x0] =	vst v0;
	s25 =	sadd.s32 $0x100, s25  }
0x1dd: {  	[hbm4b:s10+s16] =	stream.strided.scatter [tilespmem:s21], [sflag:$0x2], $0x4000, s20, s16, $0x38;
	[tilespmem:$0x1E700] =	vst v63  }
0x1de: {  	s23 =	sshll.u32 @!p0 s2, $0x6  }
0x1df: {  	s24 =	simm.s32 @!p0 $0x8;
	s25 =	simm.s32 @!p0 $0x400;
	_ =	swait.ge [sflag:s17], $0x4000  }
0x1e0: {  	s26 =	simm.s32 @!p0 $0x80;
	s22 =	sadd.s32 $0x1, s22;
	[sflag:s17] =	ssyncset.done $0x0  }
0x1e1: {  	s23 =	sor.u32 @!p0 $0x1C02, s23;
	p1 =	sne.s32 s22, s13;
	[sflag:s17] =	ssyncadd.s32 $0xFFFFC000  }
0x1e2: {  	[hbm:s11@s25], [sflag:s23] =	dma.strided @!p0 [hbm:s12@s26], $0x800, s24, $0x10   }
.Ltmp8:
0x1e3: {  	_ = 	snop;
	(pc) =	sbr.rel @p1 .LBB2_1-.Ltmp8, $4  }
0x1e4: {  	s23 =	simm.s32 @!p0 $0x2  }
0x1e5: {  	_ =	swait.ge @!p0 [sflag:s23], $0x800  }
0x1e6: {  	[sflag:s23] =	ssyncset.done @!p0 $0x0  }
0x1e7: {  	[sflag:s23] =	ssyncadd.s32 @!p0 $0xFFFFF800  }
0x1e8: {  	_ =	sfence.sel $0x180000  }
0x1e9: {  	[bflag:$0x0] =	sbarrier.arrive $0xFFFF  }
0x1ea: {  	p0 =	sne.s32 s2, $0x0;
	_ =	strace $0x90000047  }
0x1eb: {  	s0 =	sadd.s32 @!p0 $0x100000, s0;
	[bflag:$0x2] =	sbarrier.arrive $0xFFFF  }
0x1ec: {  	[sflag:s0] =	ssyncadd.tile.s32 @!p0 $0x1;
	_ =	shalt  }
.Lfunc_end2:
_tile_overlayer_lowered:
.L_overlay_start_2:
0x1ed: {  	(tag) =	ssettag $0x2  }
0x1ee: {  	s0 =	rddreg [dreg:$0x0];
	s2 =	stileid.u32  }
0x1ef: {  	s1 =	rddreg [dreg:$0x1];
	p0 =	sne.s32 s2, $0x0  }
0x1f0: {  	s3 =	rddreg [dreg:$0x2];
	[bflag:$0x3] =	sbarrier.arrive $0xFFFF;
	s2 =	simm.s32 @!p0 $0x1C02  }
0x1f1: {  	[timem:s3], [sflag:s2] =	dma.local @!p0 [hbm:s0], s1  }
0x1f2: {  	s0 =	simm.s32 @!p0 $0x2  }
0x1f3: {  	_ =	swait.ge @!p0 [sflag:s0], s1  }
0x1f4: {  	s1 =	ssub.s32 @!p0 $0x0, s1;
	[sflag:s0] =	ssyncset.done @!p0 $0x0  }
0x1f5: {  	[sflag:s0] =	ssyncadd.s32 @!p0 s1  }
0x1f6: {  	[bflag:$0x3] =	sbarrier.arrive $0xFFFF  }
0x1f7: {  	_ =	shalt  }

</sc_bundles>
